<compile_context>
chip_gen: v7x
topology: tpu7x:2x2x1
jax: 0.10.2.dev20260603
libtpu: 0.0.44.dev20260713+nightly
codegen_flags: <defaults>
</compile_context>

<pallas_src>
import math

import jax
import jax.numpy as jnp
from jax import lax
from jax.experimental import pallas as pl
from jax.experimental.pallas import tpu as pltpu
from jax.experimental.pallas import tpu_sc as plsc

_D = 158
_E = 12
_L = 16
_NC = 2
_NS = 16
_NW = _NC * _NS
_SCALE = math.sqrt(_D)

_B1, _B2 = 16384, 200
_ROW = _B2 * _D
_BPW = _B1 // _NW
_NG = 13
_BLOCKS = (0, 16, 32, 48, 64, 80, 96, 112, 128, 142)


def _expand_row(lut_v, idx_ref, out_ref):
    iota = lax.iota(jnp.int32, _L)

    @plsc.parallel_loop(0, _NG)
    def gbody(g):
        s0 = jnp.minimum(g * _L, _B2 - _L)
        tok = idx_ref[pl.ds(s0, _L)]

        @plsc.parallel_loop(0, _L, unroll=4)
        def tloop(l):
            lane = jnp.full((_L,), l, jnp.int32)
            tok_b = tok.at[lane].get(mode="promise_in_bounds")
            lutbase = tok_b * 256
            for d0 in _BLOCKS:
                val = plsc.load_gather(lut_v, [lutbase + (d0 + iota)])
                out_ref[s0 + l, pl.ds(d0, _L)] = val


def _body(x_hbm, lut_hbm, out3d_hbm, lut_v, idx0, idx1, o0, o1,
          s_lut, s_in0, s_in1, s_out0, s_out1):
    wid = lax.axis_index("s") * _NC + lax.axis_index("c")
    base = wid * _BPW

    cp_lut = pltpu.async_copy(lut_hbm, lut_v, s_lut)
    cp0 = pltpu.async_copy(x_hbm.at[pl.ds(base * _B2, _B2)], idx0, s_in0)
    cp1 = pltpu.async_copy(x_hbm.at[pl.ds((base + 1) * _B2, _B2)], idx1, s_in1)
    cp_lut.wait()

    def sbody(i, carry):
        lut_v[pl.ds(i * _L, _L)] = lut_v[pl.ds(i * _L, _L)] * _SCALE
        return carry

    lax.fori_loop(0, _E * 256 // _L, sbody, 0)

    cp0.wait()
    _expand_row(lut_v, idx0, o0)
    pltpu.async_copy(o0, out3d_hbm.at[base], s_out0)
    pltpu.async_copy(x_hbm.at[pl.ds((base + 2) * _B2, _B2)], idx0, s_in0)

    cp1.wait()
    _expand_row(lut_v, idx1, o1)
    pltpu.async_copy(o1, out3d_hbm.at[base + 1], s_out1)
    pltpu.async_copy(x_hbm.at[pl.ds((base + 3) * _B2, _B2)], idx1, s_in1)

    def pair(p, carry):
        c = 2 * p
        for b, (idx_v, out_v, s_in, s_out) in enumerate(
                ((idx0, o0, s_in0, s_out0), (idx1, o1, s_in1, s_out1))):
            row_id = base + c + b
            pltpu.make_async_copy(
                out_v, out3d_hbm.at[0], s_out).wait()
            pltpu.make_async_copy(
                x_hbm.at[pl.ds(0, _B2)], idx_v, s_in).wait()
            _expand_row(lut_v, idx_v, out_v)
            pltpu.async_copy(out_v, out3d_hbm.at[row_id], s_out)
            nxt = jnp.minimum(row_id + 2, _B1 - 1)
            pltpu.async_copy(x_hbm.at[pl.ds(nxt * _B2, _B2)], idx_v, s_in)
        return carry

    lax.fori_loop(1, _BPW // 2, pair, 0)

    pltpu.make_async_copy(o0, out3d_hbm.at[0], s_out0).wait()
    pltpu.make_async_copy(o1, out3d_hbm.at[0], s_out1).wait()
    pltpu.make_async_copy(x_hbm.at[pl.ds(0, _B2)], idx0, s_in0).wait()
    pltpu.make_async_copy(x_hbm.at[pl.ds(0, _B2)], idx1, s_in1).wait()


def kernel(x, lut):
    x_flat = x.reshape(-1).astype(jnp.int32)
    lut_t = jnp.zeros((_E, 256), jnp.float32).at[:, :_D].set(
        lut.astype(jnp.float32)).reshape(-1)

    run = pl.kernel(
        _body,
        out_type=jax.ShapeDtypeStruct((_B1, _B2, _D), jnp.float32),
        mesh=plsc.VectorSubcoreMesh(
            core_axis_name="c", subcore_axis_name="s",
            num_cores=_NC, num_subcores=_NS),
        compiler_params=pltpu.CompilerParams(
            needs_layout_passes=False, use_tc_tiling_on_sc=True),
        scratch_types=[
            pltpu.VMEM((_E * 256,), jnp.float32),
            pltpu.VMEM((_B2,), jnp.int32),
            pltpu.VMEM((_B2,), jnp.int32),
            pltpu.VMEM((_B2, _D), jnp.float32),
            pltpu.VMEM((_B2, _D), jnp.float32),
            pltpu.SemaphoreType.DMA,
            pltpu.SemaphoreType.DMA,
            pltpu.SemaphoreType.DMA,
            pltpu.SemaphoreType.DMA,
            pltpu.SemaphoreType.DMA,
        ],
    )
    return run(x_flat, lut_t)

# --- scband reference (transcript-rebuilt; emitter-appended) ---
"""Pipeline reference for scband-organs-embedding-78391743086939 (READ-ONLY COPY).

The authoritative reference and input builder live on the scoring server;
editing this copy changes nothing except your own understanding.
"""

import jax, jax.numpy as jnp
import numpy as np
import math

EMBED_DIM = 158
NUM_EMB = 12

def setup_inputs(seed: int = 0) -> dict:
    key = jax.random.key(seed)
    k1, k2 = jax.random.split(key)
    x = jax.random.randint(k1, (16384, 200), 0, NUM_EMB, dtype=jnp.int64 if jax.config.jax_enable_x64 else jnp.int32)
    lut = jax.random.normal(k2, (NUM_EMB, EMBED_DIM), dtype=jnp.float32)
    return {"x": x, "lut": lut}

def reference(x, lut):
    # OrgansEmbedding.forward: self.lut(x) * sqrt(embedding_dim)
    emb = jnp.take(lut, x, axis=0)
    return emb * math.sqrt(EMBED_DIM)

if __name__ == "__main__":
    import jax
    _d = setup_inputs()
    print(jax.jit(kernel)(*tuple(_d.values())))

</pallas_src>

<mosaic_0001>
#map = affine_map<(d0, d1) -> (0)>
#map1 = affine_map<(d0, d1) -> (0, 0, 0)>
module attributes {stable_mosaic.version = 14 : i64} {
  func.func @_body(%arg0: i32, %arg1: i32, %arg2: memref<3276800xi32, #tpu.memory_space<hbm>>, %arg3: memref<3072xf32, #tpu.memory_space<hbm>>, %arg4: memref<16384x200x158xf32, #tpu.memory_space<hbm>>, %arg5: memref<3072xf32, #tpu.memory_space<vmem>>, %arg6: memref<200xi32, #tpu.memory_space<vmem>>, %arg7: memref<200xi32, #tpu.memory_space<vmem>>, %arg8: memref<200x158xf32, #tpu.memory_space<vmem>>, %arg9: memref<200x158xf32, #tpu.memory_space<vmem>>, %arg10: memref<!tpu.dma_semaphore, #tpu.memory_space<semaphore_mem>>, %arg11: memref<!tpu.dma_semaphore, #tpu.memory_space<semaphore_mem>>, %arg12: memref<!tpu.dma_semaphore, #tpu.memory_space<semaphore_mem>>, %arg13: memref<!tpu.dma_semaphore, #tpu.memory_space<semaphore_mem>>, %arg14: memref<!tpu.dma_semaphore, #tpu.memory_space<semaphore_mem>>) attributes {dimension_semantics = [#tpu.dimension_semantics<core_parallel>, #tpu.dimension_semantics<subcore_parallel>], iteration_bounds = array<i64: 2, 16>, scalar_prefetch = 0 : i64, scratch_operands = 10 : i64, tpu.core_type = #tpu.core_type<sc_vector_subcore>, window_params = [{transform_indices = #map}, {transform_indices = #map}, {transform_indices = #map1}]} {
    %mul3A = arith.constant 2 : i32
    %mul3A_0 = arith.muli %arg1, %mul3A : i32
    %add3A = arith.addi %mul3A_0, %arg0 : i32
    %mul3A_1 = arith.constant 512 : i32
    %mul3A_2 = arith.muli %add3A, %mul3A_1 : i32
    tpu.enqueue_dma source(%arg3 : memref<3072xf32, #tpu.memory_space<hbm>>) target(%arg5 : memref<3072xf32, #tpu.memory_space<vmem>>) target_semaphore(%arg10 : memref<!tpu.dma_semaphore, #tpu.memory_space<semaphore_mem>>)
    %mul3A_3 = arith.constant 200 : i32
    %mul3A_4 = arith.muli %mul3A_2, %mul3A_3 : i32
    %dma_start3A = tpu.memref_slice %arg2[%mul3A_4] : memref<3276800xi32, #tpu.memory_space<hbm>> -> memref<200xi32, #tpu.memory_space<hbm>>
    %dma_start3A_5 = tpu.memref_slice %arg2[%mul3A_4] : memref<3276800xi32, #tpu.memory_space<hbm>> -> memref<200xi32, #tpu.memory_space<hbm>>
    tpu.enqueue_dma source(%dma_start3A_5 : memref<200xi32, #tpu.memory_space<hbm>>) target(%arg6 : memref<200xi32, #tpu.memory_space<vmem>>) target_semaphore(%arg11 : memref<!tpu.dma_semaphore, #tpu.memory_space<semaphore_mem>>)
    %add3A_6 = arith.constant 1 : i32
    %add3A_7 = arith.addi %mul3A_2, %add3A_6 : i32
    %mul3A_8 = arith.constant 200 : i32
    %mul3A_9 = arith.muli %add3A_7, %mul3A_8 : i32
    %dma_start3A_10 = tpu.memref_slice %arg2[%mul3A_9] : memref<3276800xi32, #tpu.memory_space<hbm>> -> memref<200xi32, #tpu.memory_space<hbm>>
    %dma_start3A_11 = tpu.memref_slice %arg2[%mul3A_9] : memref<3276800xi32, #tpu.memory_space<hbm>> -> memref<200xi32, #tpu.memory_space<hbm>>
    tpu.enqueue_dma source(%dma_start3A_11 : memref<200xi32, #tpu.memory_space<hbm>>) target(%arg7 : memref<200xi32, #tpu.memory_space<vmem>>) target_semaphore(%arg12 : memref<!tpu.dma_semaphore, #tpu.memory_space<semaphore_mem>>)
    tpu.wait_dma2 semaphore(%arg10 : memref<!tpu.dma_semaphore, #tpu.memory_space<semaphore_mem>>) src(%arg3 : memref<3072xf32, #tpu.memory_space<hbm>>) dst(%arg5 : memref<3072xf32, #tpu.memory_space<vmem>>)
    %scan3A = arith.constant 0 : i32
    %scan3A_12 = arith.constant 0 : i32
    %scan3A_13 = arith.constant 192 : i32
    %scan3A_14 = arith.addi %scan3A_12, %scan3A_13 : i32
    %scan3A_15 = arith.constant 1 : i32
    scf.for %scan3A_88 = %scan3A_12 to %scan3A_14 step %scan3A_15  : i32 {
      %mul3A_89 = arith.constant 16 : i32
      %mul3A_90 = arith.muli %scan3A_88, %mul3A_89 : i32
      %get3A = arith.index_cast %mul3A_90 : i32 to index
      %get3A_91 = tpu.vector_load %arg5[%get3A] {strides = array<i32>} : memref<3072xf32, #tpu.memory_space<vmem>>, vector<16xf32>,
      %mul3A_92 = arith.constant 12.5698051 : f32
      %mul3A_93 = vector.broadcast %mul3A_92 : f32 to vector<16xf32>
      %mul3A_94 = arith.mulf %get3A_91, %mul3A_93 : vector<16xf32>
      %mul3A_95 = arith.constant 16 : i32
      %mul3A_96 = arith.muli %scan3A_88, %mul3A_95 : i32
      %swap3A = arith.index_cast %mul3A_96 : i32 to index
      %swap3A_97 = tpu.vector_load %arg5[%swap3A] {strides = array<i32>} : memref<3072xf32, #tpu.memory_space<vmem>>, vector<16xf32>,
      tpu.vector_store %arg5[%swap3A], %mul3A_94 {strides = array<i32>} : memref<3072xf32, #tpu.memory_space<vmem>>, vector<16xf32>,
    }
    %scan3A_16 = arith.constant 192 : i32
    %dma_wait3A = tpu.memref_slice %arg2[%mul3A_4] : memref<3276800xi32, #tpu.memory_space<hbm>> -> memref<200xi32, #tpu.memory_space<hbm>>
    %dma_wait3A_17 = tpu.memref_slice %arg2[%mul3A_4] : memref<3276800xi32, #tpu.memory_space<hbm>> -> memref<200xi32, #tpu.memory_space<hbm>>
    tpu.wait_dma2 semaphore(%arg11 : memref<!tpu.dma_semaphore, #tpu.memory_space<semaphore_mem>>) src(%dma_wait3A_17 : memref<200xi32, #tpu.memory_space<hbm>>) dst(%arg6 : memref<200xi32, #tpu.memory_space<vmem>>)
    %iota3A = tpu.iota {dimensions = array<i32: 0>} : vector<16xi32>
    %parallel_loop3A = arith.constant 0 : i32
    %parallel_loop3A_18 = arith.constant 13 : i32
    %parallel_loop3A_19 = arith.constant 1 : i32
    scf.for %parallel_loop3A_88 = %parallel_loop3A to %parallel_loop3A_18 step %parallel_loop3A_19  : i32 {
      %parallel_loop3A_89 = arith.constant 16 : i32
      %parallel_loop3A_90 = arith.muli %parallel_loop3A_88, %parallel_loop3A_89 : i32
      %parallel_loop3A_91 = arith.constant 184 : i32
      %parallel_loop3A_92 = arith.minsi %parallel_loop3A_90, %parallel_loop3A_91 : i32
      %parallel_loop3A_93 = arith.index_cast %parallel_loop3A_92 : i32 to index
      %parallel_loop3A_94 = tpu.vector_load %arg6[%parallel_loop3A_93] {strides = array<i32>} : memref<200xi32, #tpu.memory_space<vmem>>, vector<16xi32>,
      %parallel_loop3A_95 = arith.constant 0 : i32
      %parallel_loop3A_96 = arith.constant 16 : i32
      %parallel_loop3A_97 = arith.constant 1 : i32
      scf.for %parallel_loop3A_98 = %parallel_loop3A_95 to %parallel_loop3A_96 step %parallel_loop3A_97  : i32 {
        %parallel_loop3A_99 = vector.broadcast %parallel_loop3A_98 : i32 to vector<16xi32>
        %parallel_loop3A_100 = arith.constant 0 : i32
        %parallel_loop3A_101 = vector.broadcast %parallel_loop3A_100 : i32 to vector<16xi32>
        %parallel_loop3A_102 = arith.cmpi slt, %parallel_loop3A_99, %parallel_loop3A_101 : vector<16xi32>
        %parallel_loop3A_103 = arith.constant 16 : i32
        %parallel_loop3A_104 = vector.broadcast %parallel_loop3A_103 : i32 to vector<16xi32>
        %parallel_loop3A_105 = arith.addi %parallel_loop3A_99, %parallel_loop3A_104 : vector<16xi32>
        %parallel_loop3A_106 = arith.select %parallel_loop3A_102, %parallel_loop3A_105, %parallel_loop3A_99 : vector<16xi1>, vector<16xi32>
        %parallel_loop3A_107 = vector.shape_cast %parallel_loop3A_106 : vector<16xi32> to vector<16x1xi32>
        %parallel_loop3A_108 = vector.shape_cast %parallel_loop3A_107 : vector<16x1xi32> to vector<16xi32>
        %parallel_loop3A_109 = tpu.dynamic_gather %parallel_loop3A_94[%parallel_loop3A_108] in [0] : vector<16xi32>, vector<16xi32> -> vector<16xi32>
        %parallel_loop3A_110 = arith.constant 256 : i32
        %parallel_loop3A_111 = vector.broadcast %parallel_loop3A_110 : i32 to vector<16xi32>
        %parallel_loop3A_112 = arith.muli %parallel_loop3A_109, %parallel_loop3A_111 : vector<16xi32>
        %parallel_loop3A_113 = arith.constant 0 : i32
        %parallel_loop3A_114 = vector.broadcast %parallel_loop3A_113 : i32 to vector<16xi32>
        %parallel_loop3A_115 = arith.addi %parallel_loop3A_114, %iota3A : vector<16xi32>
        %parallel_loop3A_116 = arith.addi %parallel_loop3A_112, %parallel_loop3A_115 : vector<16xi32>
        %parallel_loop3A_117 = tpu.vector_load_idx %arg5[%parallel_loop3A_116] : memref<3072xf32, #tpu.memory_space<vmem>>[vector<16xi32>], vector<16xf32>,
        %parallel_loop3A_118 = arith.addi %parallel_loop3A_92, %parallel_loop3A_98 : i32
        %parallel_loop3A_119 = arith.index_cast %parallel_loop3A_118 : i32 to index
        %parallel_loop3A_120 = arith.constant 0 : index
        %parallel_loop3A_121 = tpu.vector_load %arg8[%parallel_loop3A_119, %parallel_loop3A_120] {strides = array<i32>} : memref<200x158xf32, #tpu.memory_space<vmem>>, vector<16xf32>,
        tpu.vector_store %arg8[%parallel_loop3A_119, %parallel_loop3A_120], %parallel_loop3A_117 {strides = array<i32>} : memref<200x158xf32, #tpu.memory_space<vmem>>, vector<16xf32>,
        %parallel_loop3A_122 = arith.constant 16 : i32
        %parallel_loop3A_123 = vector.broadcast %parallel_loop3A_122 : i32 to vector<16xi32>
        %parallel_loop3A_124 = arith.addi %parallel_loop3A_123, %iota3A : vector<16xi32>
        %parallel_loop3A_125 = arith.addi %parallel_loop3A_112, %parallel_loop3A_124 : vector<16xi32>
        %parallel_loop3A_126 = tpu.vector_load_idx %arg5[%parallel_loop3A_125] : memref<3072xf32, #tpu.memory_space<vmem>>[vector<16xi32>], vector<16xf32>,
        %parallel_loop3A_127 = arith.addi %parallel_loop3A_92, %parallel_loop3A_98 : i32
        %parallel_loop3A_128 = arith.index_cast %parallel_loop3A_127 : i32 to index
        %parallel_loop3A_129 = arith.constant 16 : index
        %parallel_loop3A_130 = tpu.vector_load %arg8[%parallel_loop3A_128, %parallel_loop3A_129] {strides = array<i32>} : memref<200x158xf32, #tpu.memory_space<vmem>>, vector<16xf32>,
        tpu.vector_store %arg8[%parallel_loop3A_128, %parallel_loop3A_129], %parallel_loop3A_126 {strides = array<i32>} : memref<200x158xf32, #tpu.memory_space<vmem>>, vector<16xf32>,
        %parallel_loop3A_131 = arith.constant 32 : i32
        %parallel_loop3A_132 = vector.broadcast %parallel_loop3A_131 : i32 to vector<16xi32>
        %parallel_loop3A_133 = arith.addi %parallel_loop3A_132, %iota3A : vector<16xi32>
        %parallel_loop3A_134 = arith.addi %parallel_loop3A_112, %parallel_loop3A_133 : vector<16xi32>
        %parallel_loop3A_135 = tpu.vector_load_idx %arg5[%parallel_loop3A_134] : memref<3072xf32, #tpu.memory_space<vmem>>[vector<16xi32>], vector<16xf32>,
        %parallel_loop3A_136 = arith.addi %parallel_loop3A_92, %parallel_loop3A_98 : i32
        %parallel_loop3A_137 = arith.index_cast %parallel_loop3A_136 : i32 to index
        %parallel_loop3A_138 = arith.constant 32 : index
        %parallel_loop3A_139 = tpu.vector_load %arg8[%parallel_loop3A_137, %parallel_loop3A_138] {strides = array<i32>} : memref<200x158xf32, #tpu.memory_space<vmem>>, vector<16xf32>,
        tpu.vector_store %arg8[%parallel_loop3A_137, %parallel_loop3A_138], %parallel_loop3A_135 {strides = array<i32>} : memref<200x158xf32, #tpu.memory_space<vmem>>, vector<16xf32>,
        %parallel_loop3A_140 = arith.constant 48 : i32
        %parallel_loop3A_141 = vector.broadcast %parallel_loop3A_140 : i32 to vector<16xi32>
        %parallel_loop3A_142 = arith.addi %parallel_loop3A_141, %iota3A : vector<16xi32>
        %parallel_loop3A_143 = arith.addi %parallel_loop3A_112, %parallel_loop3A_142 : vector<16xi32>
        %parallel_loop3A_144 = tpu.vector_load_idx %arg5[%parallel_loop3A_143] : memref<3072xf32, #tpu.memory_space<vmem>>[vector<16xi32>], vector<16xf32>,
        %parallel_loop3A_145 = arith.addi %parallel_loop3A_92, %parallel_loop3A_98 : i32
        %parallel_loop3A_146 = arith.index_cast %parallel_loop3A_145 : i32 to index
        %parallel_loop3A_147 = arith.constant 48 : index
        %parallel_loop3A_148 = tpu.vector_load %arg8[%parallel_loop3A_146, %parallel_loop3A_147] {strides = array<i32>} : memref<200x158xf32, #tpu.memory_space<vmem>>, vector<16xf32>,
        tpu.vector_store %arg8[%parallel_loop3A_146, %parallel_loop3A_147], %parallel_loop3A_144 {strides = array<i32>} : memref<200x158xf32, #tpu.memory_space<vmem>>, vector<16xf32>,
        %parallel_loop3A_149 = arith.constant 64 : i32
        %parallel_loop3A_150 = vector.broadcast %parallel_loop3A_149 : i32 to vector<16xi32>
        %parallel_loop3A_151 = arith.addi %parallel_loop3A_150, %iota3A : vector<16xi32>
        %parallel_loop3A_152 = arith.addi %parallel_loop3A_112, %parallel_loop3A_151 : vector<16xi32>
        %parallel_loop3A_153 = tpu.vector_load_idx %arg5[%parallel_loop3A_152] : memref<3072xf32, #tpu.memory_space<vmem>>[vector<16xi32>], vector<16xf32>,
        %parallel_loop3A_154 = arith.addi %parallel_loop3A_92, %parallel_loop3A_98 : i32
        %parallel_loop3A_155 = arith.index_cast %parallel_loop3A_154 : i32 to index
        %parallel_loop3A_156 = arith.constant 64 : index
        %parallel_loop3A_157 = tpu.vector_load %arg8[%parallel_loop3A_155, %parallel_loop3A_156] {strides = array<i32>} : memref<200x158xf32, #tpu.memory_space<vmem>>, vector<16xf32>,
        tpu.vector_store %arg8[%parallel_loop3A_155, %parallel_loop3A_156], %parallel_loop3A_153 {strides = array<i32>} : memref<200x158xf32, #tpu.memory_space<vmem>>, vector<16xf32>,
        %parallel_loop3A_158 = arith.constant 80 : i32
        %parallel_loop3A_159 = vector.broadcast %parallel_loop3A_158 : i32 to vector<16xi32>
        %parallel_loop3A_160 = arith.addi %parallel_loop3A_159, %iota3A : vector<16xi32>
        %parallel_loop3A_161 = arith.addi %parallel_loop3A_112, %parallel_loop3A_160 : vector<16xi32>
        %parallel_loop3A_162 = tpu.vector_load_idx %arg5[%parallel_loop3A_161] : memref<3072xf32, #tpu.memory_space<vmem>>[vector<16xi32>], vector<16xf32>,
        %parallel_loop3A_163 = arith.addi %parallel_loop3A_92, %parallel_loop3A_98 : i32
        %parallel_loop3A_164 = arith.index_cast %parallel_loop3A_163 : i32 to index
        %parallel_loop3A_165 = arith.constant 80 : index
        %parallel_loop3A_166 = tpu.vector_load %arg8[%parallel_loop3A_164, %parallel_loop3A_165] {strides = array<i32>} : memref<200x158xf32, #tpu.memory_space<vmem>>, vector<16xf32>,
        tpu.vector_store %arg8[%parallel_loop3A_164, %parallel_loop3A_165], %parallel_loop3A_162 {strides = array<i32>} : memref<200x158xf32, #tpu.memory_space<vmem>>, vector<16xf32>,
        %parallel_loop3A_167 = arith.constant 96 : i32
        %parallel_loop3A_168 = vector.broadcast %parallel_loop3A_167 : i32 to vector<16xi32>
        %parallel_loop3A_169 = arith.addi %parallel_loop3A_168, %iota3A : vector<16xi32>
        %parallel_loop3A_170 = arith.addi %parallel_loop3A_112, %parallel_loop3A_169 : vector<16xi32>
        %parallel_loop3A_171 = tpu.vector_load_idx %arg5[%parallel_loop3A_170] : memref<3072xf32, #tpu.memory_space<vmem>>[vector<16xi32>], vector<16xf32>,
        %parallel_loop3A_172 = arith.addi %parallel_loop3A_92, %parallel_loop3A_98 : i32
        %parallel_loop3A_173 = arith.index_cast %parallel_loop3A_172 : i32 to index
        %parallel_loop3A_174 = arith.constant 96 : index
        %parallel_loop3A_175 = tpu.vector_load %arg8[%parallel_loop3A_173, %parallel_loop3A_174] {strides = array<i32>} : memref<200x158xf32, #tpu.memory_space<vmem>>, vector<16xf32>,
        tpu.vector_store %arg8[%parallel_loop3A_173, %parallel_loop3A_174], %parallel_loop3A_171 {strides = array<i32>} : memref<200x158xf32, #tpu.memory_space<vmem>>, vector<16xf32>,
        %parallel_loop3A_176 = arith.constant 112 : i32
        %parallel_loop3A_177 = vector.broadcast %parallel_loop3A_176 : i32 to vector<16xi32>
        %parallel_loop3A_178 = arith.addi %parallel_loop3A_177, %iota3A : vector<16xi32>
        %parallel_loop3A_179 = arith.addi %parallel_loop3A_112, %parallel_loop3A_178 : vector<16xi32>
        %parallel_loop3A_180 = tpu.vector_load_idx %arg5[%parallel_loop3A_179] : memref<3072xf32, #tpu.memory_space<vmem>>[vector<16xi32>], vector<16xf32>,
        %parallel_loop3A_181 = arith.addi %parallel_loop3A_92, %parallel_loop3A_98 : i32
        %parallel_loop3A_182 = arith.index_cast %parallel_loop3A_181 : i32 to index
        %parallel_loop3A_183 = arith.constant 112 : index
        %parallel_loop3A_184 = tpu.vector_load %arg8[%parallel_loop3A_182, %parallel_loop3A_183] {strides = array<i32>} : memref<200x158xf32, #tpu.memory_space<vmem>>, vector<16xf32>,
        tpu.vector_store %arg8[%parallel_loop3A_182, %parallel_loop3A_183], %parallel_loop3A_180 {strides = array<i32>} : memref<200x158xf32, #tpu.memory_space<vmem>>, vector<16xf32>,
        %parallel_loop3A_185 = arith.constant 128 : i32
        %parallel_loop3A_186 = vector.broadcast %parallel_loop3A_185 : i32 to vector<16xi32>
        %parallel_loop3A_187 = arith.addi %parallel_loop3A_186, %iota3A : vector<16xi32>
        %parallel_loop3A_188 = arith.addi %parallel_loop3A_112, %parallel_loop3A_187 : vector<16xi32>
        %parallel_loop3A_189 = tpu.vector_load_idx %arg5[%parallel_loop3A_188] : memref<3072xf32, #tpu.memory_space<vmem>>[vector<16xi32>], vector<16xf32>,
        %parallel_loop3A_190 = arith.addi %parallel_loop3A_92, %parallel_loop3A_98 : i32
        %parallel_loop3A_191 = arith.index_cast %parallel_loop3A_190 : i32 to index
        %parallel_loop3A_192 = arith.constant 128 : index
        %parallel_loop3A_193 = tpu.vector_load %arg8[%parallel_loop3A_191, %parallel_loop3A_192] {strides = array<i32>} : memref<200x158xf32, #tpu.memory_space<vmem>>, vector<16xf32>,
        tpu.vector_store %arg8[%parallel_loop3A_191, %parallel_loop3A_192], %parallel_loop3A_189 {strides = array<i32>} : memref<200x158xf32, #tpu.memory_space<vmem>>, vector<16xf32>,
        %parallel_loop3A_194 = arith.constant 142 : i32
        %parallel_loop3A_195 = vector.broadcast %parallel_loop3A_194 : i32 to vector<16xi32>
        %parallel_loop3A_196 = arith.addi %parallel_loop3A_195, %iota3A : vector<16xi32>
        %parallel_loop3A_197 = arith.addi %parallel_loop3A_112, %parallel_loop3A_196 : vector<16xi32>
        %parallel_loop3A_198 = tpu.vector_load_idx %arg5[%parallel_loop3A_197] : memref<3072xf32, #tpu.memory_space<vmem>>[vector<16xi32>], vector<16xf32>,
        %parallel_loop3A_199 = arith.addi %parallel_loop3A_92, %parallel_loop3A_98 : i32
        %parallel_loop3A_200 = arith.index_cast %parallel_loop3A_199 : i32 to index
        %parallel_loop3A_201 = arith.constant 142 : index
        %parallel_loop3A_202 = tpu.vector_load %arg8[%parallel_loop3A_200, %parallel_loop3A_201] {strides = array<i32>} : memref<200x158xf32, #tpu.memory_space<vmem>>, vector<16xf32>,
        tpu.vector_store %arg8[%parallel_loop3A_200, %parallel_loop3A_201], %parallel_loop3A_198 {strides = array<i32>} : memref<200x158xf32, #tpu.memory_space<vmem>>, vector<16xf32>,
      } {sc.loop_unroll_factor = 4 : i64, sc.parallel_access}
    } {sc.loop_unroll_factor = 1 : i64, sc.parallel_access}
    %dma_start3A_20 = arith.constant 0 : i32
    %dma_start3A_21 = arith.constant 0 : i32
    %dma_start3A_22 = tpu.memref_slice %arg4[%mul3A_2, %dma_start3A_20, %dma_start3A_21] : memref<16384x200x158xf32, #tpu.memory_space<hbm>> -> memref<1x200x158xf32, #tpu.memory_space<hbm>>
    %dma_start3A_23 = tpu.memref_squeeze %dma_start3A_22 : memref<1x200x158xf32, #tpu.memory_space<hbm>> -> memref<200x158xf32, #tpu.memory_space<hbm>>
    %dma_start3A_24 = arith.constant 0 : i32
    %dma_start3A_25 = arith.constant 0 : i32
    %dma_start3A_26 = tpu.memref_slice %arg4[%mul3A_2, %dma_start3A_24, %dma_start3A_25] : memref<16384x200x158xf32, #tpu.memory_space<hbm>> -> memref<1x200x158xf32, #tpu.memory_space<hbm>>
    %dma_start3A_27 = tpu.memref_squeeze %dma_start3A_26 : memref<1x200x158xf32, #tpu.memory_space<hbm>> -> memref<200x158xf32, #tpu.memory_space<hbm>>
    tpu.enqueue_dma source(%arg8 : memref<200x158xf32, #tpu.memory_space<vmem>>) target(%dma_start3A_27 : memref<200x158xf32, #tpu.memory_space<hbm>>) target_semaphore(%arg13 : memref<!tpu.dma_semaphore, #tpu.memory_space<semaphore_mem>>)
    %add3A_28 = arith.constant 2 : i32
    %add3A_29 = arith.addi %mul3A_2, %add3A_28 : i32
    %mul3A_30 = arith.constant 200 : i32
    %mul3A_31 = arith.muli %add3A_29, %mul3A_30 : i32
    %dma_start3A_32 = tpu.memref_slice %arg2[%mul3A_31] : memref<3276800xi32, #tpu.memory_space<hbm>> -> memref<200xi32, #tpu.memory_space<hbm>>
    %dma_start3A_33 = tpu.memref_slice %arg2[%mul3A_31] : memref<3276800xi32, #tpu.memory_space<hbm>> -> memref<200xi32, #tpu.memory_space<hbm>>
    tpu.enqueue_dma source(%dma_start3A_33 : memref<200xi32, #tpu.memory_space<hbm>>) target(%arg6 : memref<200xi32, #tpu.memory_space<vmem>>) target_semaphore(%arg11 : memref<!tpu.dma_semaphore, #tpu.memory_space<semaphore_mem>>)
    %dma_wait3A_34 = tpu.memref_slice %arg2[%mul3A_9] : memref<3276800xi32, #tpu.memory_space<hbm>> -> memref<200xi32, #tpu.memory_space<hbm>>
    %dma_wait3A_35 = tpu.memref_slice %arg2[%mul3A_9] : memref<3276800xi32, #tpu.memory_space<hbm>> -> memref<200xi32, #tpu.memory_space<hbm>>
    tpu.wait_dma2 semaphore(%arg12 : memref<!tpu.dma_semaphore, #tpu.memory_space<semaphore_mem>>) src(%dma_wait3A_35 : memref<200xi32, #tpu.memory_space<hbm>>) dst(%arg7 : memref<200xi32, #tpu.memory_space<vmem>>)
    %iota3A_36 = tpu.iota {dimensions = array<i32: 0>} : vector<16xi32>
    %parallel_loop3A_37 = arith.constant 0 : i32
    %parallel_loop3A_38 = arith.constant 13 : i32
    %parallel_loop3A_39 = arith.constant 1 : i32
    scf.for %parallel_loop3A_88 = %parallel_loop3A_37 to %parallel_loop3A_38 step %parallel_loop3A_39  : i32 {
      %parallel_loop3A_89 = arith.constant 16 : i32
      %parallel_loop3A_90 = arith.muli %parallel_loop3A_88, %parallel_loop3A_89 : i32
      %parallel_loop3A_91 = arith.constant 184 : i32
      %parallel_loop3A_92 = arith.minsi %parallel_loop3A_90, %parallel_loop3A_91 : i32
      %parallel_loop3A_93 = arith.index_cast %parallel_loop3A_92 : i32 to index
      %parallel_loop3A_94 = tpu.vector_load %arg7[%parallel_loop3A_93] {strides = array<i32>} : memref<200xi32, #tpu.memory_space<vmem>>, vector<16xi32>,
      %parallel_loop3A_95 = arith.constant 0 : i32
      %parallel_loop3A_96 = arith.constant 16 : i32
      %parallel_loop3A_97 = arith.constant 1 : i32
      scf.for %parallel_loop3A_98 = %parallel_loop3A_95 to %parallel_loop3A_96 step %parallel_loop3A_97  : i32 {
        %parallel_loop3A_99 = vector.broadcast %parallel_loop3A_98 : i32 to vector<16xi32>
        %parallel_loop3A_100 = arith.constant 0 : i32
        %parallel_loop3A_101 = vector.broadcast %parallel_loop3A_100 : i32 to vector<16xi32>
        %parallel_loop3A_102 = arith.cmpi slt, %parallel_loop3A_99, %parallel_loop3A_101 : vector<16xi32>
        %parallel_loop3A_103 = arith.constant 16 : i32
        %parallel_loop3A_104 = vector.broadcast %parallel_loop3A_103 : i32 to vector<16xi32>
        %parallel_loop3A_105 = arith.addi %parallel_loop3A_99, %parallel_loop3A_104 : vector<16xi32>
        %parallel_loop3A_106 = arith.select %parallel_loop3A_102, %parallel_loop3A_105, %parallel_loop3A_99 : vector<16xi1>, vector<16xi32>
        %parallel_loop3A_107 = vector.shape_cast %parallel_loop3A_106 : vector<16xi32> to vector<16x1xi32>
        %parallel_loop3A_108 = vector.shape_cast %parallel_loop3A_107 : vector<16x1xi32> to vector<16xi32>
        %parallel_loop3A_109 = tpu.dynamic_gather %parallel_loop3A_94[%parallel_loop3A_108] in [0] : vector<16xi32>, vector<16xi32> -> vector<16xi32>
        %parallel_loop3A_110 = arith.constant 256 : i32
        %parallel_loop3A_111 = vector.broadcast %parallel_loop3A_110 : i32 to vector<16xi32>
        %parallel_loop3A_112 = arith.muli %parallel_loop3A_109, %parallel_loop3A_111 : vector<16xi32>
        %parallel_loop3A_113 = arith.constant 0 : i32
        %parallel_loop3A_114 = vector.broadcast %parallel_loop3A_113 : i32 to vector<16xi32>
        %parallel_loop3A_115 = arith.addi %parallel_loop3A_114, %iota3A_36 : vector<16xi32>
        %parallel_loop3A_116 = arith.addi %parallel_loop3A_112, %parallel_loop3A_115 : vector<16xi32>
        %parallel_loop3A_117 = tpu.vector_load_idx %arg5[%parallel_loop3A_116] : memref<3072xf32, #tpu.memory_space<vmem>>[vector<16xi32>], vector<16xf32>,
        %parallel_loop3A_118 = arith.addi %parallel_loop3A_92, %parallel_loop3A_98 : i32
        %parallel_loop3A_119 = arith.index_cast %parallel_loop3A_118 : i32 to index
        %parallel_loop3A_120 = arith.constant 0 : index
        %parallel_loop3A_121 = tpu.vector_load %arg9[%parallel_loop3A_119, %parallel_loop3A_120] {strides = array<i32>} : memref<200x158xf32, #tpu.memory_space<vmem>>, vector<16xf32>,
        tpu.vector_store %arg9[%parallel_loop3A_119, %parallel_loop3A_120], %parallel_loop3A_117 {strides = array<i32>} : memref<200x158xf32, #tpu.memory_space<vmem>>, vector<16xf32>,
        %parallel_loop3A_122 = arith.constant 16 : i32
        %parallel_loop3A_123 = vector.broadcast %parallel_loop3A_122 : i32 to vector<16xi32>
        %parallel_loop3A_124 = arith.addi %parallel_loop3A_123, %iota3A_36 : vector<16xi32>
        %parallel_loop3A_125 = arith.addi %parallel_loop3A_112, %parallel_loop3A_124 : vector<16xi32>
        %parallel_loop3A_126 = tpu.vector_load_idx %arg5[%parallel_loop3A_125] : memref<3072xf32, #tpu.memory_space<vmem>>[vector<16xi32>], vector<16xf32>,
        %parallel_loop3A_127 = arith.addi %parallel_loop3A_92, %parallel_loop3A_98 : i32
        %parallel_loop3A_128 = arith.index_cast %parallel_loop3A_127 : i32 to index
        %parallel_loop3A_129 = arith.constant 16 : index
        %parallel_loop3A_130 = tpu.vector_load %arg9[%parallel_loop3A_128, %parallel_loop3A_129] {strides = array<i32>} : memref<200x158xf32, #tpu.memory_space<vmem>>, vector<16xf32>,
        tpu.vector_store %arg9[%parallel_loop3A_128, %parallel_loop3A_129], %parallel_loop3A_126 {strides = array<i32>} : memref<200x158xf32, #tpu.memory_space<vmem>>, vector<16xf32>,
        %parallel_loop3A_131 = arith.constant 32 : i32
        %parallel_loop3A_132 = vector.broadcast %parallel_loop3A_131 : i32 to vector<16xi32>
        %parallel_loop3A_133 = arith.addi %parallel_loop3A_132, %iota3A_36 : vector<16xi32>
        %parallel_loop3A_134 = arith.addi %parallel_loop3A_112, %parallel_loop3A_133 : vector<16xi32>
        %parallel_loop3A_135 = tpu.vector_load_idx %arg5[%parallel_loop3A_134] : memref<3072xf32, #tpu.memory_space<vmem>>[vector<16xi32>], vector<16xf32>,
        %parallel_loop3A_136 = arith.addi %parallel_loop3A_92, %parallel_loop3A_98 : i32
        %parallel_loop3A_137 = arith.index_cast %parallel_loop3A_136 : i32 to index
        %parallel_loop3A_138 = arith.constant 32 : index
        %parallel_loop3A_139 = tpu.vector_load %arg9[%parallel_loop3A_137, %parallel_loop3A_138] {strides = array<i32>} : memref<200x158xf32, #tpu.memory_space<vmem>>, vector<16xf32>,
        tpu.vector_store %arg9[%parallel_loop3A_137, %parallel_loop3A_138], %parallel_loop3A_135 {strides = array<i32>} : memref<200x158xf32, #tpu.memory_space<vmem>>, vector<16xf32>,
        %parallel_loop3A_140 = arith.constant 48 : i32
        %parallel_loop3A_141 = vector.broadcast %parallel_loop3A_140 : i32 to vector<16xi32>
        %parallel_loop3A_142 = arith.addi %parallel_loop3A_141, %iota3A_36 : vector<16xi32>
        %parallel_loop3A_143 = arith.addi %parallel_loop3A_112, %parallel_loop3A_142 : vector<16xi32>
        %parallel_loop3A_144 = tpu.vector_load_idx %arg5[%parallel_loop3A_143] : memref<3072xf32, #tpu.memory_space<vmem>>[vector<16xi32>], vector<16xf32>,
        %parallel_loop3A_145 = arith.addi %parallel_loop3A_92, %parallel_loop3A_98 : i32
        %parallel_loop3A_146 = arith.index_cast %parallel_loop3A_145 : i32 to index
        %parallel_loop3A_147 = arith.constant 48 : index
        %parallel_loop3A_148 = tpu.vector_load %arg9[%parallel_loop3A_146, %parallel_loop3A_147] {strides = array<i32>} : memref<200x158xf32, #tpu.memory_space<vmem>>, vector<16xf32>,
        tpu.vector_store %arg9[%parallel_loop3A_146, %parallel_loop3A_147], %parallel_loop3A_144 {strides = array<i32>} : memref<200x158xf32, #tpu.memory_space<vmem>>, vector<16xf32>,
        %parallel_loop3A_149 = arith.constant 64 : i32
        %parallel_loop3A_150 = vector.broadcast %parallel_loop3A_149 : i32 to vector<16xi32>
        %parallel_loop3A_151 = arith.addi %parallel_loop3A_150, %iota3A_36 : vector<16xi32>
        %parallel_loop3A_152 = arith.addi %parallel_loop3A_112, %parallel_loop3A_151 : vector<16xi32>
        %parallel_loop3A_153 = tpu.vector_load_idx %arg5[%parallel_loop3A_152] : memref<3072xf32, #tpu.memory_space<vmem>>[vector<16xi32>], vector<16xf32>,
        %parallel_loop3A_154 = arith.addi %parallel_loop3A_92, %parallel_loop3A_98 : i32
        %parallel_loop3A_155 = arith.index_cast %parallel_loop3A_154 : i32 to index
        %parallel_loop3A_156 = arith.constant 64 : index
        %parallel_loop3A_157 = tpu.vector_load %arg9[%parallel_loop3A_155, %parallel_loop3A_156] {strides = array<i32>} : memref<200x158xf32, #tpu.memory_space<vmem>>, vector<16xf32>,
        tpu.vector_store %arg9[%parallel_loop3A_155, %parallel_loop3A_156], %parallel_loop3A_153 {strides = array<i32>} : memref<200x158xf32, #tpu.memory_space<vmem>>, vector<16xf32>,
        %parallel_loop3A_158 = arith.constant 80 : i32
        %parallel_loop3A_159 = vector.broadcast %parallel_loop3A_158 : i32 to vector<16xi32>
        %parallel_loop3A_160 = arith.addi %parallel_loop3A_159, %iota3A_36 : vector<16xi32>
        %parallel_loop3A_161 = arith.addi %parallel_loop3A_112, %parallel_loop3A_160 : vector<16xi32>
        %parallel_loop3A_162 = tpu.vector_load_idx %arg5[%parallel_loop3A_161] : memref<3072xf32, #tpu.memory_space<vmem>>[vector<16xi32>], vector<16xf32>,
        %parallel_loop3A_163 = arith.addi %parallel_loop3A_92, %parallel_loop3A_98 : i32
        %parallel_loop3A_164 = arith.index_cast %parallel_loop3A_163 : i32 to index
        %parallel_loop3A_165 = arith.constant 80 : index
        %parallel_loop3A_166 = tpu.vector_load %arg9[%parallel_loop3A_164, %parallel_loop3A_165] {strides = array<i32>} : memref<200x158xf32, #tpu.memory_space<vmem>>, vector<16xf32>,
        tpu.vector_store %arg9[%parallel_loop3A_164, %parallel_loop3A_165], %parallel_loop3A_162 {strides = array<i32>} : memref<200x158xf32, #tpu.memory_space<vmem>>, vector<16xf32>,
        %parallel_loop3A_167 = arith.constant 96 : i32
        %parallel_loop3A_168 = vector.broadcast %parallel_loop3A_167 : i32 to vector<16xi32>
        %parallel_loop3A_169 = arith.addi %parallel_loop3A_168, %iota3A_36 : vector<16xi32>
        %parallel_loop3A_170 = arith.addi %parallel_loop3A_112, %parallel_loop3A_169 : vector<16xi32>
        %parallel_loop3A_171 = tpu.vector_load_idx %arg5[%parallel_loop3A_170] : memref<3072xf32, #tpu.memory_space<vmem>>[vector<16xi32>], vector<16xf32>,
        %parallel_loop3A_172 = arith.addi %parallel_loop3A_92, %parallel_loop3A_98 : i32
        %parallel_loop3A_173 = arith.index_cast %parallel_loop3A_172 : i32 to index
        %parallel_loop3A_174 = arith.constant 96 : index
        %parallel_loop3A_175 = tpu.vector_load %arg9[%parallel_loop3A_173, %parallel_loop3A_174] {strides = array<i32>} : memref<200x158xf32, #tpu.memory_space<vmem>>, vector<16xf32>,
        tpu.vector_store %arg9[%parallel_loop3A_173, %parallel_loop3A_174], %parallel_loop3A_171 {strides = array<i32>} : memref<200x158xf32, #tpu.memory_space<vmem>>, vector<16xf32>,
        %parallel_loop3A_176 = arith.constant 112 : i32
        %parallel_loop3A_177 = vector.broadcast %parallel_loop3A_176 : i32 to vector<16xi32>
        %parallel_loop3A_178 = arith.addi %parallel_loop3A_177, %iota3A_36 : vector<16xi32>
        %parallel_loop3A_179 = arith.addi %parallel_loop3A_112, %parallel_loop3A_178 : vector<16xi32>
        %parallel_loop3A_180 = tpu.vector_load_idx %arg5[%parallel_loop3A_179] : memref<3072xf32, #tpu.memory_space<vmem>>[vector<16xi32>], vector<16xf32>,
        %parallel_loop3A_181 = arith.addi %parallel_loop3A_92, %parallel_loop3A_98 : i32
        %parallel_loop3A_182 = arith.index_cast %parallel_loop3A_181 : i32 to index
        %parallel_loop3A_183 = arith.constant 112 : index
        %parallel_loop3A_184 = tpu.vector_load %arg9[%parallel_loop3A_182, %parallel_loop3A_183] {strides = array<i32>} : memref<200x158xf32, #tpu.memory_space<vmem>>, vector<16xf32>,
        tpu.vector_store %arg9[%parallel_loop3A_182, %parallel_loop3A_183], %parallel_loop3A_180 {strides = array<i32>} : memref<200x158xf32, #tpu.memory_space<vmem>>, vector<16xf32>,
        %parallel_loop3A_185 = arith.constant 128 : i32
        %parallel_loop3A_186 = vector.broadcast %parallel_loop3A_185 : i32 to vector<16xi32>
        %parallel_loop3A_187 = arith.addi %parallel_loop3A_186, %iota3A_36 : vector<16xi32>
        %parallel_loop3A_188 = arith.addi %parallel_loop3A_112, %parallel_loop3A_187 : vector<16xi32>
        %parallel_loop3A_189 = tpu.vector_load_idx %arg5[%parallel_loop3A_188] : memref<3072xf32, #tpu.memory_space<vmem>>[vector<16xi32>], vector<16xf32>,
        %parallel_loop3A_190 = arith.addi %parallel_loop3A_92, %parallel_loop3A_98 : i32
        %parallel_loop3A_191 = arith.index_cast %parallel_loop3A_190 : i32 to index
        %parallel_loop3A_192 = arith.constant 128 : index
        %parallel_loop3A_193 = tpu.vector_load %arg9[%parallel_loop3A_191, %parallel_loop3A_192] {strides = array<i32>} : memref<200x158xf32, #tpu.memory_space<vmem>>, vector<16xf32>,
        tpu.vector_store %arg9[%parallel_loop3A_191, %parallel_loop3A_192], %parallel_loop3A_189 {strides = array<i32>} : memref<200x158xf32, #tpu.memory_space<vmem>>, vector<16xf32>,
        %parallel_loop3A_194 = arith.constant 142 : i32
        %parallel_loop3A_195 = vector.broadcast %parallel_loop3A_194 : i32 to vector<16xi32>
        %parallel_loop3A_196 = arith.addi %parallel_loop3A_195, %iota3A_36 : vector<16xi32>
        %parallel_loop3A_197 = arith.addi %parallel_loop3A_112, %parallel_loop3A_196 : vector<16xi32>
        %parallel_loop3A_198 = tpu.vector_load_idx %arg5[%parallel_loop3A_197] : memref<3072xf32, #tpu.memory_space<vmem>>[vector<16xi32>], vector<16xf32>,
        %parallel_loop3A_199 = arith.addi %parallel_loop3A_92, %parallel_loop3A_98 : i32
        %parallel_loop3A_200 = arith.index_cast %parallel_loop3A_199 : i32 to index
        %parallel_loop3A_201 = arith.constant 142 : index
        %parallel_loop3A_202 = tpu.vector_load %arg9[%parallel_loop3A_200, %parallel_loop3A_201] {strides = array<i32>} : memref<200x158xf32, #tpu.memory_space<vmem>>, vector<16xf32>,
        tpu.vector_store %arg9[%parallel_loop3A_200, %parallel_loop3A_201], %parallel_loop3A_198 {strides = array<i32>} : memref<200x158xf32, #tpu.memory_space<vmem>>, vector<16xf32>,
      } {sc.loop_unroll_factor = 4 : i64, sc.parallel_access}
    } {sc.loop_unroll_factor = 1 : i64, sc.parallel_access}
    %add3A_40 = arith.constant 1 : i32
    %add3A_41 = arith.addi %mul3A_2, %add3A_40 : i32
    %dma_start3A_42 = arith.constant 0 : i32
    %dma_start3A_43 = arith.constant 0 : i32
    %dma_start3A_44 = tpu.memref_slice %arg4[%add3A_41, %dma_start3A_42, %dma_start3A_43] : memref<16384x200x158xf32, #tpu.memory_space<hbm>> -> memref<1x200x158xf32, #tpu.memory_space<hbm>>
    %dma_start3A_45 = tpu.memref_squeeze %dma_start3A_44 : memref<1x200x158xf32, #tpu.memory_space<hbm>> -> memref<200x158xf32, #tpu.memory_space<hbm>>
    %dma_start3A_46 = arith.constant 0 : i32
    %dma_start3A_47 = arith.constant 0 : i32
    %dma_start3A_48 = tpu.memref_slice %arg4[%add3A_41, %dma_start3A_46, %dma_start3A_47] : memref<16384x200x158xf32, #tpu.memory_space<hbm>> -> memref<1x200x158xf32, #tpu.memory_space<hbm>>
    %dma_start3A_49 = tpu.memref_squeeze %dma_start3A_48 : memref<1x200x158xf32, #tpu.memory_space<hbm>> -> memref<200x158xf32, #tpu.memory_space<hbm>>
    tpu.enqueue_dma source(%arg9 : memref<200x158xf32, #tpu.memory_space<vmem>>) target(%dma_start3A_49 : memref<200x158xf32, #tpu.memory_space<hbm>>) target_semaphore(%arg14 : memref<!tpu.dma_semaphore, #tpu.memory_space<semaphore_mem>>)
    %add3A_50 = arith.constant 3 : i32
    %add3A_51 = arith.addi %mul3A_2, %add3A_50 : i32
    %mul3A_52 = arith.constant 200 : i32
    %mul3A_53 = arith.muli %add3A_51, %mul3A_52 : i32
    %dma_start3A_54 = tpu.memref_slice %arg2[%mul3A_53] : memref<3276800xi32, #tpu.memory_space<hbm>> -> memref<200xi32, #tpu.memory_space<hbm>>
    %dma_start3A_55 = tpu.memref_slice %arg2[%mul3A_53] : memref<3276800xi32, #tpu.memory_space<hbm>> -> memref<200xi32, #tpu.memory_space<hbm>>
    tpu.enqueue_dma source(%dma_start3A_55 : memref<200xi32, #tpu.memory_space<hbm>>) target(%arg7 : memref<200xi32, #tpu.memory_space<vmem>>) target_semaphore(%arg12 : memref<!tpu.dma_semaphore, #tpu.memory_space<semaphore_mem>>)
    %scan3A_56 = arith.constant 0 : i32
    %scan3A_57 = arith.constant 1 : i32
    %scan3A_58 = arith.constant 255 : i32
    %scan3A_59 = arith.addi %scan3A_57, %scan3A_58 : i32
    %scan3A_60 = arith.constant 1 : i32
    scf.for %scan3A_88 = %scan3A_57 to %scan3A_59 step %scan3A_60  : i32 {
      %mul3A_89 = arith.constant 2 : i32
      %mul3A_90 = arith.muli %mul3A_89, %scan3A_88 : i32
      %add3A_91 = arith.addi %mul3A_2, %mul3A_90 : i32
      %add3A_92 = arith.constant 0 : i32
      %add3A_93 = arith.addi %add3A_91, %add3A_92 : i32
      %dma_wait3A_94 = arith.constant 0 : i32
      %dma_wait3A_95 = arith.constant 0 : i32
      %dma_wait3A_96 = arith.constant 0 : i32
      %dma_wait3A_97 = tpu.memref_slice %arg4[%dma_wait3A_94, %dma_wait3A_95, %dma_wait3A_96] : memref<16384x200x158xf32, #tpu.memory_space<hbm>> -> memref<1x200x158xf32, #tpu.memory_space<hbm>>
      %dma_wait3A_98 = tpu.memref_squeeze %dma_wait3A_97 : memref<1x200x158xf32, #tpu.memory_space<hbm>> -> memref<200x158xf32, #tpu.memory_space<hbm>>
      %dma_wait3A_99 = arith.constant 0 : i32
      %dma_wait3A_100 = arith.constant 0 : i32
      %dma_wait3A_101 = tpu.memref_slice %arg4[%dma_wait3A_94, %dma_wait3A_99, %dma_wait3A_100] : memref<16384x200x158xf32, #tpu.memory_space<hbm>> -> memref<1x200x158xf32, #tpu.memory_space<hbm>>
      %dma_wait3A_102 = tpu.memref_squeeze %dma_wait3A_101 : memref<1x200x158xf32, #tpu.memory_space<hbm>> -> memref<200x158xf32, #tpu.memory_space<hbm>>
      tpu.wait_dma2 semaphore(%arg13 : memref<!tpu.dma_semaphore, #tpu.memory_space<semaphore_mem>>) src(%arg8 : memref<200x158xf32, #tpu.memory_space<vmem>>) dst(%dma_wait3A_102 : memref<200x158xf32, #tpu.memory_space<hbm>>)
      %dma_wait3A_103 = arith.constant 0 : i32
      %dma_wait3A_104 = tpu.memref_slice %arg2[%dma_wait3A_103] : memref<3276800xi32, #tpu.memory_space<hbm>> -> memref<200xi32, #tpu.memory_space<hbm>>
      %dma_wait3A_105 = arith.constant 0 : i32
      %dma_wait3A_106 = tpu.memref_slice %arg2[%dma_wait3A_105] : memref<3276800xi32, #tpu.memory_space<hbm>> -> memref<200xi32, #tpu.memory_space<hbm>>
      tpu.wait_dma2 semaphore(%arg11 : memref<!tpu.dma_semaphore, #tpu.memory_space<semaphore_mem>>) src(%dma_wait3A_106 : memref<200xi32, #tpu.memory_space<hbm>>) dst(%arg6 : memref<200xi32, #tpu.memory_space<vmem>>)
      %iota3A_107 = tpu.iota {dimensions = array<i32: 0>} : vector<16xi32>
      %parallel_loop3A_108 = arith.constant 0 : i32
      %parallel_loop3A_109 = arith.constant 13 : i32
      %parallel_loop3A_110 = arith.constant 1 : i32
      scf.for %parallel_loop3A_162 = %parallel_loop3A_108 to %parallel_loop3A_109 step %parallel_loop3A_110  : i32 {
        %parallel_loop3A_163 = arith.constant 16 : i32
        %parallel_loop3A_164 = arith.muli %parallel_loop3A_162, %parallel_loop3A_163 : i32
        %parallel_loop3A_165 = arith.constant 184 : i32
        %parallel_loop3A_166 = arith.minsi %parallel_loop3A_164, %parallel_loop3A_165 : i32
        %parallel_loop3A_167 = arith.index_cast %parallel_loop3A_166 : i32 to index
        %parallel_loop3A_168 = tpu.vector_load %arg6[%parallel_loop3A_167] {strides = array<i32>} : memref<200xi32, #tpu.memory_space<vmem>>, vector<16xi32>,
        %parallel_loop3A_169 = arith.constant 0 : i32
        %parallel_loop3A_170 = arith.constant 16 : i32
        %parallel_loop3A_171 = arith.constant 1 : i32
        scf.for %parallel_loop3A_172 = %parallel_loop3A_169 to %parallel_loop3A_170 step %parallel_loop3A_171  : i32 {
          %parallel_loop3A_173 = vector.broadcast %parallel_loop3A_172 : i32 to vector<16xi32>
          %parallel_loop3A_174 = arith.constant 0 : i32
          %parallel_loop3A_175 = vector.broadcast %parallel_loop3A_174 : i32 to vector<16xi32>
          %parallel_loop3A_176 = arith.cmpi slt, %parallel_loop3A_173, %parallel_loop3A_175 : vector<16xi32>
          %parallel_loop3A_177 = arith.constant 16 : i32
          %parallel_loop3A_178 = vector.broadcast %parallel_loop3A_177 : i32 to vector<16xi32>
          %parallel_loop3A_179 = arith.addi %parallel_loop3A_173, %parallel_loop3A_178 : vector<16xi32>
          %parallel_loop3A_180 = arith.select %parallel_loop3A_176, %parallel_loop3A_179, %parallel_loop3A_173 : vector<16xi1>, vector<16xi32>
          %parallel_loop3A_181 = vector.shape_cast %parallel_loop3A_180 : vector<16xi32> to vector<16x1xi32>
          %parallel_loop3A_182 = vector.shape_cast %parallel_loop3A_181 : vector<16x1xi32> to vector<16xi32>
          %parallel_loop3A_183 = tpu.dynamic_gather %parallel_loop3A_168[%parallel_loop3A_182] in [0] : vector<16xi32>, vector<16xi32> -> vector<16xi32>
          %parallel_loop3A_184 = arith.constant 256 : i32
          %parallel_loop3A_185 = vector.broadcast %parallel_loop3A_184 : i32 to vector<16xi32>
          %parallel_loop3A_186 = arith.muli %parallel_loop3A_183, %parallel_loop3A_185 : vector<16xi32>
          %parallel_loop3A_187 = arith.constant 0 : i32
          %parallel_loop3A_188 = vector.broadcast %parallel_loop3A_187 : i32 to vector<16xi32>
          %parallel_loop3A_189 = arith.addi %parallel_loop3A_188, %iota3A_107 : vector<16xi32>
          %parallel_loop3A_190 = arith.addi %parallel_loop3A_186, %parallel_loop3A_189 : vector<16xi32>
          %parallel_loop3A_191 = tpu.vector_load_idx %arg5[%parallel_loop3A_190] : memref<3072xf32, #tpu.memory_space<vmem>>[vector<16xi32>], vector<16xf32>,
          %parallel_loop3A_192 = arith.addi %parallel_loop3A_166, %parallel_loop3A_172 : i32
          %parallel_loop3A_193 = arith.index_cast %parallel_loop3A_192 : i32 to index
          %parallel_loop3A_194 = arith.constant 0 : index
          %parallel_loop3A_195 = tpu.vector_load %arg8[%parallel_loop3A_193, %parallel_loop3A_194] {strides = array<i32>} : memref<200x158xf32, #tpu.memory_space<vmem>>, vector<16xf32>,
          tpu.vector_store %arg8[%parallel_loop3A_193, %parallel_loop3A_194], %parallel_loop3A_191 {strides = array<i32>} : memref<200x158xf32, #tpu.memory_space<vmem>>, vector<16xf32>,
          %parallel_loop3A_196 = arith.constant 16 : i32
          %parallel_loop3A_197 = vector.broadcast %parallel_loop3A_196 : i32 to vector<16xi32>
          %parallel_loop3A_198 = arith.addi %parallel_loop3A_197, %iota3A_107 : vector<16xi32>
          %parallel_loop3A_199 = arith.addi %parallel_loop3A_186, %parallel_loop3A_198 : vector<16xi32>
          %parallel_loop3A_200 = tpu.vector_load_idx %arg5[%parallel_loop3A_199] : memref<3072xf32, #tpu.memory_space<vmem>>[vector<16xi32>], vector<16xf32>,
          %parallel_loop3A_201 = arith.addi %parallel_loop3A_166, %parallel_loop3A_172 : i32
          %parallel_loop3A_202 = arith.index_cast %parallel_loop3A_201 : i32 to index
          %parallel_loop3A_203 = arith.constant 16 : index
          %parallel_loop3A_204 = tpu.vector_load %arg8[%parallel_loop3A_202, %parallel_loop3A_203] {strides = array<i32>} : memref<200x158xf32, #tpu.memory_space<vmem>>, vector<16xf32>,
          tpu.vector_store %arg8[%parallel_loop3A_202, %parallel_loop3A_203], %parallel_loop3A_200 {strides = array<i32>} : memref<200x158xf32, #tpu.memory_space<vmem>>, vector<16xf32>,
          %parallel_loop3A_205 = arith.constant 32 : i32
          %parallel_loop3A_206 = vector.broadcast %parallel_loop3A_205 : i32 to vector<16xi32>
          %parallel_loop3A_207 = arith.addi %parallel_loop3A_206, %iota3A_107 : vector<16xi32>
          %parallel_loop3A_208 = arith.addi %parallel_loop3A_186, %parallel_loop3A_207 : vector<16xi32>
          %parallel_loop3A_209 = tpu.vector_load_idx %arg5[%parallel_loop3A_208] : memref<3072xf32, #tpu.memory_space<vmem>>[vector<16xi32>], vector<16xf32>,
          %parallel_loop3A_210 = arith.addi %parallel_loop3A_166, %parallel_loop3A_172 : i32
          %parallel_loop3A_211 = arith.index_cast %parallel_loop3A_210 : i32 to index
          %parallel_loop3A_212 = arith.constant 32 : index
          %parallel_loop3A_213 = tpu.vector_load %arg8[%parallel_loop3A_211, %parallel_loop3A_212] {strides = array<i32>} : memref<200x158xf32, #tpu.memory_space<vmem>>, vector<16xf32>,
          tpu.vector_store %arg8[%parallel_loop3A_211, %parallel_loop3A_212], %parallel_loop3A_209 {strides = array<i32>} : memref<200x158xf32, #tpu.memory_space<vmem>>, vector<16xf32>,
          %parallel_loop3A_214 = arith.constant 48 : i32
          %parallel_loop3A_215 = vector.broadcast %parallel_loop3A_214 : i32 to vector<16xi32>
          %parallel_loop3A_216 = arith.addi %parallel_loop3A_215, %iota3A_107 : vector<16xi32>
          %parallel_loop3A_217 = arith.addi %parallel_loop3A_186, %parallel_loop3A_216 : vector<16xi32>
          %parallel_loop3A_218 = tpu.vector_load_idx %arg5[%parallel_loop3A_217] : memref<3072xf32, #tpu.memory_space<vmem>>[vector<16xi32>], vector<16xf32>,
          %parallel_loop3A_219 = arith.addi %parallel_loop3A_166, %parallel_loop3A_172 : i32
          %parallel_loop3A_220 = arith.index_cast %parallel_loop3A_219 : i32 to index
          %parallel_loop3A_221 = arith.constant 48 : index
          %parallel_loop3A_222 = tpu.vector_load %arg8[%parallel_loop3A_220, %parallel_loop3A_221] {strides = array<i32>} : memref<200x158xf32, #tpu.memory_space<vmem>>, vector<16xf32>,
          tpu.vector_store %arg8[%parallel_loop3A_220, %parallel_loop3A_221], %parallel_loop3A_218 {strides = array<i32>} : memref<200x158xf32, #tpu.memory_space<vmem>>, vector<16xf32>,
          %parallel_loop3A_223 = arith.constant 64 : i32
          %parallel_loop3A_224 = vector.broadcast %parallel_loop3A_223 : i32 to vector<16xi32>
          %parallel_loop3A_225 = arith.addi %parallel_loop3A_224, %iota3A_107 : vector<16xi32>
          %parallel_loop3A_226 = arith.addi %parallel_loop3A_186, %parallel_loop3A_225 : vector<16xi32>
          %parallel_loop3A_227 = tpu.vector_load_idx %arg5[%parallel_loop3A_226] : memref<3072xf32, #tpu.memory_space<vmem>>[vector<16xi32>], vector<16xf32>,
          %parallel_loop3A_228 = arith.addi %parallel_loop3A_166, %parallel_loop3A_172 : i32
          %parallel_loop3A_229 = arith.index_cast %parallel_loop3A_228 : i32 to index
          %parallel_loop3A_230 = arith.constant 64 : index
          %parallel_loop3A_231 = tpu.vector_load %arg8[%parallel_loop3A_229, %parallel_loop3A_230] {strides = array<i32>} : memref<200x158xf32, #tpu.memory_space<vmem>>, vector<16xf32>,
          tpu.vector_store %arg8[%parallel_loop3A_229, %parallel_loop3A_230], %parallel_loop3A_227 {strides = array<i32>} : memref<200x158xf32, #tpu.memory_space<vmem>>, vector<16xf32>,
          %parallel_loop3A_232 = arith.constant 80 : i32
          %parallel_loop3A_233 = vector.broadcast %parallel_loop3A_232 : i32 to vector<16xi32>
          %parallel_loop3A_234 = arith.addi %parallel_loop3A_233, %iota3A_107 : vector<16xi32>
          %parallel_loop3A_235 = arith.addi %parallel_loop3A_186, %parallel_loop3A_234 : vector<16xi32>
          %parallel_loop3A_236 = tpu.vector_load_idx %arg5[%parallel_loop3A_235] : memref<3072xf32, #tpu.memory_space<vmem>>[vector<16xi32>], vector<16xf32>,
          %parallel_loop3A_237 = arith.addi %parallel_loop3A_166, %parallel_loop3A_172 : i32
          %parallel_loop3A_238 = arith.index_cast %parallel_loop3A_237 : i32 to index
          %parallel_loop3A_239 = arith.constant 80 : index
          %parallel_loop3A_240 = tpu.vector_load %arg8[%parallel_loop3A_238, %parallel_loop3A_239] {strides = array<i32>} : memref<200x158xf32, #tpu.memory_space<vmem>>, vector<16xf32>,
          tpu.vector_store %arg8[%parallel_loop3A_238, %parallel_loop3A_239], %parallel_loop3A_236 {strides = array<i32>} : memref<200x158xf32, #tpu.memory_space<vmem>>, vector<16xf32>,
          %parallel_loop3A_241 = arith.constant 96 : i32
          %parallel_loop3A_242 = vector.broadcast %parallel_loop3A_241 : i32 to vector<16xi32>
          %parallel_loop3A_243 = arith.addi %parallel_loop3A_242, %iota3A_107 : vector<16xi32>
          %parallel_loop3A_244 = arith.addi %parallel_loop3A_186, %parallel_loop3A_243 : vector<16xi32>
          %parallel_loop3A_245 = tpu.vector_load_idx %arg5[%parallel_loop3A_244] : memref<3072xf32, #tpu.memory_space<vmem>>[vector<16xi32>], vector<16xf32>,
          %parallel_loop3A_246 = arith.addi %parallel_loop3A_166, %parallel_loop3A_172 : i32
          %parallel_loop3A_247 = arith.index_cast %parallel_loop3A_246 : i32 to index
          %parallel_loop3A_248 = arith.constant 96 : index
          %parallel_loop3A_249 = tpu.vector_load %arg8[%parallel_loop3A_247, %parallel_loop3A_248] {strides = array<i32>} : memref<200x158xf32, #tpu.memory_space<vmem>>, vector<16xf32>,
          tpu.vector_store %arg8[%parallel_loop3A_247, %parallel_loop3A_248], %parallel_loop3A_245 {strides = array<i32>} : memref<200x158xf32, #tpu.memory_space<vmem>>, vector<16xf32>,
          %parallel_loop3A_250 = arith.constant 112 : i32
          %parallel_loop3A_251 = vector.broadcast %parallel_loop3A_250 : i32 to vector<16xi32>
          %parallel_loop3A_252 = arith.addi %parallel_loop3A_251, %iota3A_107 : vector<16xi32>
          %parallel_loop3A_253 = arith.addi %parallel_loop3A_186, %parallel_loop3A_252 : vector<16xi32>
          %parallel_loop3A_254 = tpu.vector_load_idx %arg5[%parallel_loop3A_253] : memref<3072xf32, #tpu.memory_space<vmem>>[vector<16xi32>], vector<16xf32>,
          %parallel_loop3A_255 = arith.addi %parallel_loop3A_166, %parallel_loop3A_172 : i32
          %parallel_loop3A_256 = arith.index_cast %parallel_loop3A_255 : i32 to index
          %parallel_loop3A_257 = arith.constant 112 : index
          %parallel_loop3A_258 = tpu.vector_load %arg8[%parallel_loop3A_256, %parallel_loop3A_257] {strides = array<i32>} : memref<200x158xf32, #tpu.memory_space<vmem>>, vector<16xf32>,
          tpu.vector_store %arg8[%parallel_loop3A_256, %parallel_loop3A_257], %parallel_loop3A_254 {strides = array<i32>} : memref<200x158xf32, #tpu.memory_space<vmem>>, vector<16xf32>,
          %parallel_loop3A_259 = arith.constant 128 : i32
          %parallel_loop3A_260 = vector.broadcast %parallel_loop3A_259 : i32 to vector<16xi32>
          %parallel_loop3A_261 = arith.addi %parallel_loop3A_260, %iota3A_107 : vector<16xi32>
          %parallel_loop3A_262 = arith.addi %parallel_loop3A_186, %parallel_loop3A_261 : vector<16xi32>
          %parallel_loop3A_263 = tpu.vector_load_idx %arg5[%parallel_loop3A_262] : memref<3072xf32, #tpu.memory_space<vmem>>[vector<16xi32>], vector<16xf32>,
          %parallel_loop3A_264 = arith.addi %parallel_loop3A_166, %parallel_loop3A_172 : i32
          %parallel_loop3A_265 = arith.index_cast %parallel_loop3A_264 : i32 to index
          %parallel_loop3A_266 = arith.constant 128 : index
          %parallel_loop3A_267 = tpu.vector_load %arg8[%parallel_loop3A_265, %parallel_loop3A_266] {strides = array<i32>} : memref<200x158xf32, #tpu.memory_space<vmem>>, vector<16xf32>,
          tpu.vector_store %arg8[%parallel_loop3A_265, %parallel_loop3A_266], %parallel_loop3A_263 {strides = array<i32>} : memref<200x158xf32, #tpu.memory_space<vmem>>, vector<16xf32>,
          %parallel_loop3A_268 = arith.constant 142 : i32
          %parallel_loop3A_269 = vector.broadcast %parallel_loop3A_268 : i32 to vector<16xi32>
          %parallel_loop3A_270 = arith.addi %parallel_loop3A_269, %iota3A_107 : vector<16xi32>
          %parallel_loop3A_271 = arith.addi %parallel_loop3A_186, %parallel_loop3A_270 : vector<16xi32>
          %parallel_loop3A_272 = tpu.vector_load_idx %arg5[%parallel_loop3A_271] : memref<3072xf32, #tpu.memory_space<vmem>>[vector<16xi32>], vector<16xf32>,
          %parallel_loop3A_273 = arith.addi %parallel_loop3A_166, %parallel_loop3A_172 : i32
          %parallel_loop3A_274 = arith.index_cast %parallel_loop3A_273 : i32 to index
          %parallel_loop3A_275 = arith.constant 142 : index
          %parallel_loop3A_276 = tpu.vector_load %arg8[%parallel_loop3A_274, %parallel_loop3A_275] {strides = array<i32>} : memref<200x158xf32, #tpu.memory_space<vmem>>, vector<16xf32>,
          tpu.vector_store %arg8[%parallel_loop3A_274, %parallel_loop3A_275], %parallel_loop3A_272 {strides = array<i32>} : memref<200x158xf32, #tpu.memory_space<vmem>>, vector<16xf32>,
        } {sc.loop_unroll_factor = 4 : i64, sc.parallel_access}
      } {sc.loop_unroll_factor = 1 : i64, sc.parallel_access}
      %dma_start3A_111 = arith.constant 0 : i32
      %dma_start3A_112 = arith.constant 0 : i32
      %dma_start3A_113 = tpu.memref_slice %arg4[%add3A_93, %dma_start3A_111, %dma_start3A_112] : memref<16384x200x158xf32, #tpu.memory_space<hbm>> -> memref<1x200x158xf32, #tpu.memory_space<hbm>>
      %dma_start3A_114 = tpu.memref_squeeze %dma_start3A_113 : memref<1x200x158xf32, #tpu.memory_space<hbm>> -> memref<200x158xf32, #tpu.memory_space<hbm>>
      %dma_start3A_115 = arith.constant 0 : i32
      %dma_start3A_116 = arith.constant 0 : i32
      %dma_start3A_117 = tpu.memref_slice %arg4[%add3A_93, %dma_start3A_115, %dma_start3A_116] : memref<16384x200x158xf32, #tpu.memory_space<hbm>> -> memref<1x200x158xf32, #tpu.memory_space<hbm>>
      %dma_start3A_118 = tpu.memref_squeeze %dma_start3A_117 : memref<1x200x158xf32, #tpu.memory_space<hbm>> -> memref<200x158xf32, #tpu.memory_space<hbm>>
      tpu.enqueue_dma source(%arg8 : memref<200x158xf32, #tpu.memory_space<vmem>>) target(%dma_start3A_118 : memref<200x158xf32, #tpu.memory_space<hbm>>) target_semaphore(%arg13 : memref<!tpu.dma_semaphore, #tpu.memory_space<semaphore_mem>>)
      %add3A_119 = arith.constant 2 : i32
      %add3A_120 = arith.addi %add3A_93, %add3A_119 : i32
      %min3A = arith.constant 16383 : i32
      %min3A_121 = arith.minsi %add3A_120, %min3A : i32
      %mul3A_122 = arith.constant 200 : i32
      %mul3A_123 = arith.muli %min3A_121, %mul3A_122 : i32
      %dma_start3A_124 = tpu.memref_slice %arg2[%mul3A_123] : memref<3276800xi32, #tpu.memory_space<hbm>> -> memref<200xi32, #tpu.memory_space<hbm>>
      %dma_start3A_125 = tpu.memref_slice %arg2[%mul3A_123] : memref<3276800xi32, #tpu.memory_space<hbm>> -> memref<200xi32, #tpu.memory_space<hbm>>
      tpu.enqueue_dma source(%dma_start3A_125 : memref<200xi32, #tpu.memory_space<hbm>>) target(%arg6 : memref<200xi32, #tpu.memory_space<vmem>>) target_semaphore(%arg11 : memref<!tpu.dma_semaphore, #tpu.memory_space<semaphore_mem>>)
      %add3A_126 = arith.addi %mul3A_2, %mul3A_90 : i32
      %add3A_127 = arith.constant 1 : i32
      %add3A_128 = arith.addi %add3A_126, %add3A_127 : i32
      %dma_wait3A_129 = arith.constant 0 : i32
      %dma_wait3A_130 = arith.constant 0 : i32
      %dma_wait3A_131 = arith.constant 0 : i32
      %dma_wait3A_132 = tpu.memref_slice %arg4[%dma_wait3A_129, %dma_wait3A_130, %dma_wait3A_131] : memref<16384x200x158xf32, #tpu.memory_space<hbm>> -> memref<1x200x158xf32, #tpu.memory_space<hbm>>
      %dma_wait3A_133 = tpu.memref_squeeze %dma_wait3A_132 : memref<1x200x158xf32, #tpu.memory_space<hbm>> -> memref<200x158xf32, #tpu.memory_space<hbm>>
      %dma_wait3A_134 = arith.constant 0 : i32
      %dma_wait3A_135 = arith.constant 0 : i32
      %dma_wait3A_136 = tpu.memref_slice %arg4[%dma_wait3A_129, %dma_wait3A_134, %dma_wait3A_135] : memref<16384x200x158xf32, #tpu.memory_space<hbm>> -> memref<1x200x158xf32, #tpu.memory_space<hbm>>
      %dma_wait3A_137 = tpu.memref_squeeze %dma_wait3A_136 : memref<1x200x158xf32, #tpu.memory_space<hbm>> -> memref<200x158xf32, #tpu.memory_space<hbm>>
      tpu.wait_dma2 semaphore(%arg14 : memref<!tpu.dma_semaphore, #tpu.memory_space<semaphore_mem>>) src(%arg9 : memref<200x158xf32, #tpu.memory_space<vmem>>) dst(%dma_wait3A_137 : memref<200x158xf32, #tpu.memory_space<hbm>>)
      %dma_wait3A_138 = arith.constant 0 : i32
      %dma_wait3A_139 = tpu.memref_slice %arg2[%dma_wait3A_138] : memref<3276800xi32, #tpu.memory_space<hbm>> -> memref<200xi32, #tpu.memory_space<hbm>>
      %dma_wait3A_140 = arith.constant 0 : i32
      %dma_wait3A_141 = tpu.memref_slice %arg2[%dma_wait3A_140] : memref<3276800xi32, #tpu.memory_space<hbm>> -> memref<200xi32, #tpu.memory_space<hbm>>
      tpu.wait_dma2 semaphore(%arg12 : memref<!tpu.dma_semaphore, #tpu.memory_space<semaphore_mem>>) src(%dma_wait3A_141 : memref<200xi32, #tpu.memory_space<hbm>>) dst(%arg7 : memref<200xi32, #tpu.memory_space<vmem>>)
      %iota3A_142 = tpu.iota {dimensions = array<i32: 0>} : vector<16xi32>
      %parallel_loop3A_143 = arith.constant 0 : i32
      %parallel_loop3A_144 = arith.constant 13 : i32
      %parallel_loop3A_145 = arith.constant 1 : i32
      scf.for %parallel_loop3A_162 = %parallel_loop3A_143 to %parallel_loop3A_144 step %parallel_loop3A_145  : i32 {
        %parallel_loop3A_163 = arith.constant 16 : i32
        %parallel_loop3A_164 = arith.muli %parallel_loop3A_162, %parallel_loop3A_163 : i32
        %parallel_loop3A_165 = arith.constant 184 : i32
        %parallel_loop3A_166 = arith.minsi %parallel_loop3A_164, %parallel_loop3A_165 : i32
        %parallel_loop3A_167 = arith.index_cast %parallel_loop3A_166 : i32 to index
        %parallel_loop3A_168 = tpu.vector_load %arg7[%parallel_loop3A_167] {strides = array<i32>} : memref<200xi32, #tpu.memory_space<vmem>>, vector<16xi32>,
        %parallel_loop3A_169 = arith.constant 0 : i32
        %parallel_loop3A_170 = arith.constant 16 : i32
        %parallel_loop3A_171 = arith.constant 1 : i32
        scf.for %parallel_loop3A_172 = %parallel_loop3A_169 to %parallel_loop3A_170 step %parallel_loop3A_171  : i32 {
          %parallel_loop3A_173 = vector.broadcast %parallel_loop3A_172 : i32 to vector<16xi32>
          %parallel_loop3A_174 = arith.constant 0 : i32
          %parallel_loop3A_175 = vector.broadcast %parallel_loop3A_174 : i32 to vector<16xi32>
          %parallel_loop3A_176 = arith.cmpi slt, %parallel_loop3A_173, %parallel_loop3A_175 : vector<16xi32>
          %parallel_loop3A_177 = arith.constant 16 : i32
          %parallel_loop3A_178 = vector.broadcast %parallel_loop3A_177 : i32 to vector<16xi32>
          %parallel_loop3A_179 = arith.addi %parallel_loop3A_173, %parallel_loop3A_178 : vector<16xi32>
          %parallel_loop3A_180 = arith.select %parallel_loop3A_176, %parallel_loop3A_179, %parallel_loop3A_173 : vector<16xi1>, vector<16xi32>
          %parallel_loop3A_181 = vector.shape_cast %parallel_loop3A_180 : vector<16xi32> to vector<16x1xi32>
          %parallel_loop3A_182 = vector.shape_cast %parallel_loop3A_181 : vector<16x1xi32> to vector<16xi32>
          %parallel_loop3A_183 = tpu.dynamic_gather %parallel_loop3A_168[%parallel_loop3A_182] in [0] : vector<16xi32>, vector<16xi32> -> vector<16xi32>
          %parallel_loop3A_184 = arith.constant 256 : i32
          %parallel_loop3A_185 = vector.broadcast %parallel_loop3A_184 : i32 to vector<16xi32>
          %parallel_loop3A_186 = arith.muli %parallel_loop3A_183, %parallel_loop3A_185 : vector<16xi32>
          %parallel_loop3A_187 = arith.constant 0 : i32
          %parallel_loop3A_188 = vector.broadcast %parallel_loop3A_187 : i32 to vector<16xi32>
          %parallel_loop3A_189 = arith.addi %parallel_loop3A_188, %iota3A_142 : vector<16xi32>
          %parallel_loop3A_190 = arith.addi %parallel_loop3A_186, %parallel_loop3A_189 : vector<16xi32>
          %parallel_loop3A_191 = tpu.vector_load_idx %arg5[%parallel_loop3A_190] : memref<3072xf32, #tpu.memory_space<vmem>>[vector<16xi32>], vector<16xf32>,
          %parallel_loop3A_192 = arith.addi %parallel_loop3A_166, %parallel_loop3A_172 : i32
          %parallel_loop3A_193 = arith.index_cast %parallel_loop3A_192 : i32 to index
          %parallel_loop3A_194 = arith.constant 0 : index
          %parallel_loop3A_195 = tpu.vector_load %arg9[%parallel_loop3A_193, %parallel_loop3A_194] {strides = array<i32>} : memref<200x158xf32, #tpu.memory_space<vmem>>, vector<16xf32>,
          tpu.vector_store %arg9[%parallel_loop3A_193, %parallel_loop3A_194], %parallel_loop3A_191 {strides = array<i32>} : memref<200x158xf32, #tpu.memory_space<vmem>>, vector<16xf32>,
          %parallel_loop3A_196 = arith.constant 16 : i32
          %parallel_loop3A_197 = vector.broadcast %parallel_loop3A_196 : i32 to vector<16xi32>
          %parallel_loop3A_198 = arith.addi %parallel_loop3A_197, %iota3A_142 : vector<16xi32>
          %parallel_loop3A_199 = arith.addi %parallel_loop3A_186, %parallel_loop3A_198 : vector<16xi32>
          %parallel_loop3A_200 = tpu.vector_load_idx %arg5[%parallel_loop3A_199] : memref<3072xf32, #tpu.memory_space<vmem>>[vector<16xi32>], vector<16xf32>,
          %parallel_loop3A_201 = arith.addi %parallel_loop3A_166, %parallel_loop3A_172 : i32
          %parallel_loop3A_202 = arith.index_cast %parallel_loop3A_201 : i32 to index
          %parallel_loop3A_203 = arith.constant 16 : index
          %parallel_loop3A_204 = tpu.vector_load %arg9[%parallel_loop3A_202, %parallel_loop3A_203] {strides = array<i32>} : memref<200x158xf32, #tpu.memory_space<vmem>>, vector<16xf32>,
          tpu.vector_store %arg9[%parallel_loop3A_202, %parallel_loop3A_203], %parallel_loop3A_200 {strides = array<i32>} : memref<200x158xf32, #tpu.memory_space<vmem>>, vector<16xf32>,
          %parallel_loop3A_205 = arith.constant 32 : i32
          %parallel_loop3A_206 = vector.broadcast %parallel_loop3A_205 : i32 to vector<16xi32>
          %parallel_loop3A_207 = arith.addi %parallel_loop3A_206, %iota3A_142 : vector<16xi32>
          %parallel_loop3A_208 = arith.addi %parallel_loop3A_186, %parallel_loop3A_207 : vector<16xi32>
          %parallel_loop3A_209 = tpu.vector_load_idx %arg5[%parallel_loop3A_208] : memref<3072xf32, #tpu.memory_space<vmem>>[vector<16xi32>], vector<16xf32>,
          %parallel_loop3A_210 = arith.addi %parallel_loop3A_166, %parallel_loop3A_172 : i32
          %parallel_loop3A_211 = arith.index_cast %parallel_loop3A_210 : i32 to index
          %parallel_loop3A_212 = arith.constant 32 : index
          %parallel_loop3A_213 = tpu.vector_load %arg9[%parallel_loop3A_211, %parallel_loop3A_212] {strides = array<i32>} : memref<200x158xf32, #tpu.memory_space<vmem>>, vector<16xf32>,
          tpu.vector_store %arg9[%parallel_loop3A_211, %parallel_loop3A_212], %parallel_loop3A_209 {strides = array<i32>} : memref<200x158xf32, #tpu.memory_space<vmem>>, vector<16xf32>,
          %parallel_loop3A_214 = arith.constant 48 : i32
          %parallel_loop3A_215 = vector.broadcast %parallel_loop3A_214 : i32 to vector<16xi32>
          %parallel_loop3A_216 = arith.addi %parallel_loop3A_215, %iota3A_142 : vector<16xi32>
          %parallel_loop3A_217 = arith.addi %parallel_loop3A_186, %parallel_loop3A_216 : vector<16xi32>
          %parallel_loop3A_218 = tpu.vector_load_idx %arg5[%parallel_loop3A_217] : memref<3072xf32, #tpu.memory_space<vmem>>[vector<16xi32>], vector<16xf32>,
          %parallel_loop3A_219 = arith.addi %parallel_loop3A_166, %parallel_loop3A_172 : i32
          %parallel_loop3A_220 = arith.index_cast %parallel_loop3A_219 : i32 to index
          %parallel_loop3A_221 = arith.constant 48 : index
          %parallel_loop3A_222 = tpu.vector_load %arg9[%parallel_loop3A_220, %parallel_loop3A_221] {strides = array<i32>} : memref<200x158xf32, #tpu.memory_space<vmem>>, vector<16xf32>,
          tpu.vector_store %arg9[%parallel_loop3A_220, %parallel_loop3A_221], %parallel_loop3A_218 {strides = array<i32>} : memref<200x158xf32, #tpu.memory_space<vmem>>, vector<16xf32>,
          %parallel_loop3A_223 = arith.constant 64 : i32
          %parallel_loop3A_224 = vector.broadcast %parallel_loop3A_223 : i32 to vector<16xi32>
          %parallel_loop3A_225 = arith.addi %parallel_loop3A_224, %iota3A_142 : vector<16xi32>
          %parallel_loop3A_226 = arith.addi %parallel_loop3A_186, %parallel_loop3A_225 : vector<16xi32>
          %parallel_loop3A_227 = tpu.vector_load_idx %arg5[%parallel_loop3A_226] : memref<3072xf32, #tpu.memory_space<vmem>>[vector<16xi32>], vector<16xf32>,
          %parallel_loop3A_228 = arith.addi %parallel_loop3A_166, %parallel_loop3A_172 : i32
          %parallel_loop3A_229 = arith.index_cast %parallel_loop3A_228 : i32 to index
          %parallel_loop3A_230 = arith.constant 64 : index
          %parallel_loop3A_231 = tpu.vector_load %arg9[%parallel_loop3A_229, %parallel_loop3A_230] {strides = array<i32>} : memref<200x158xf32, #tpu.memory_space<vmem>>, vector<16xf32>,
          tpu.vector_store %arg9[%parallel_loop3A_229, %parallel_loop3A_230], %parallel_loop3A_227 {strides = array<i32>} : memref<200x158xf32, #tpu.memory_space<vmem>>, vector<16xf32>,
          %parallel_loop3A_232 = arith.constant 80 : i32
          %parallel_loop3A_233 = vector.broadcast %parallel_loop3A_232 : i32 to vector<16xi32>
          %parallel_loop3A_234 = arith.addi %parallel_loop3A_233, %iota3A_142 : vector<16xi32>
          %parallel_loop3A_235 = arith.addi %parallel_loop3A_186, %parallel_loop3A_234 : vector<16xi32>
          %parallel_loop3A_236 = tpu.vector_load_idx %arg5[%parallel_loop3A_235] : memref<3072xf32, #tpu.memory_space<vmem>>[vector<16xi32>], vector<16xf32>,
          %parallel_loop3A_237 = arith.addi %parallel_loop3A_166, %parallel_loop3A_172 : i32
          %parallel_loop3A_238 = arith.index_cast %parallel_loop3A_237 : i32 to index
          %parallel_loop3A_239 = arith.constant 80 : index
          %parallel_loop3A_240 = tpu.vector_load %arg9[%parallel_loop3A_238, %parallel_loop3A_239] {strides = array<i32>} : memref<200x158xf32, #tpu.memory_space<vmem>>, vector<16xf32>,
          tpu.vector_store %arg9[%parallel_loop3A_238, %parallel_loop3A_239], %parallel_loop3A_236 {strides = array<i32>} : memref<200x158xf32, #tpu.memory_space<vmem>>, vector<16xf32>,
          %parallel_loop3A_241 = arith.constant 96 : i32
          %parallel_loop3A_242 = vector.broadcast %parallel_loop3A_241 : i32 to vector<16xi32>
          %parallel_loop3A_243 = arith.addi %parallel_loop3A_242, %iota3A_142 : vector<16xi32>
          %parallel_loop3A_244 = arith.addi %parallel_loop3A_186, %parallel_loop3A_243 : vector<16xi32>
          %parallel_loop3A_245 = tpu.vector_load_idx %arg5[%parallel_loop3A_244] : memref<3072xf32, #tpu.memory_space<vmem>>[vector<16xi32>], vector<16xf32>,
          %parallel_loop3A_246 = arith.addi %parallel_loop3A_166, %parallel_loop3A_172 : i32
          %parallel_loop3A_247 = arith.index_cast %parallel_loop3A_246 : i32 to index
          %parallel_loop3A_248 = arith.constant 96 : index
          %parallel_loop3A_249 = tpu.vector_load %arg9[%parallel_loop3A_247, %parallel_loop3A_248] {strides = array<i32>} : memref<200x158xf32, #tpu.memory_space<vmem>>, vector<16xf32>,
          tpu.vector_store %arg9[%parallel_loop3A_247, %parallel_loop3A_248], %parallel_loop3A_245 {strides = array<i32>} : memref<200x158xf32, #tpu.memory_space<vmem>>, vector<16xf32>,
          %parallel_loop3A_250 = arith.constant 112 : i32
          %parallel_loop3A_251 = vector.broadcast %parallel_loop3A_250 : i32 to vector<16xi32>
          %parallel_loop3A_252 = arith.addi %parallel_loop3A_251, %iota3A_142 : vector<16xi32>
          %parallel_loop3A_253 = arith.addi %parallel_loop3A_186, %parallel_loop3A_252 : vector<16xi32>
          %parallel_loop3A_254 = tpu.vector_load_idx %arg5[%parallel_loop3A_253] : memref<3072xf32, #tpu.memory_space<vmem>>[vector<16xi32>], vector<16xf32>,
          %parallel_loop3A_255 = arith.addi %parallel_loop3A_166, %parallel_loop3A_172 : i32
          %parallel_loop3A_256 = arith.index_cast %parallel_loop3A_255 : i32 to index
          %parallel_loop3A_257 = arith.constant 112 : index
          %parallel_loop3A_258 = tpu.vector_load %arg9[%parallel_loop3A_256, %parallel_loop3A_257] {strides = array<i32>} : memref<200x158xf32, #tpu.memory_space<vmem>>, vector<16xf32>,
          tpu.vector_store %arg9[%parallel_loop3A_256, %parallel_loop3A_257], %parallel_loop3A_254 {strides = array<i32>} : memref<200x158xf32, #tpu.memory_space<vmem>>, vector<16xf32>,
          %parallel_loop3A_259 = arith.constant 128 : i32
          %parallel_loop3A_260 = vector.broadcast %parallel_loop3A_259 : i32 to vector<16xi32>
          %parallel_loop3A_261 = arith.addi %parallel_loop3A_260, %iota3A_142 : vector<16xi32>
          %parallel_loop3A_262 = arith.addi %parallel_loop3A_186, %parallel_loop3A_261 : vector<16xi32>
          %parallel_loop3A_263 = tpu.vector_load_idx %arg5[%parallel_loop3A_262] : memref<3072xf32, #tpu.memory_space<vmem>>[vector<16xi32>], vector<16xf32>,
          %parallel_loop3A_264 = arith.addi %parallel_loop3A_166, %parallel_loop3A_172 : i32
          %parallel_loop3A_265 = arith.index_cast %parallel_loop3A_264 : i32 to index
          %parallel_loop3A_266 = arith.constant 128 : index
          %parallel_loop3A_267 = tpu.vector_load %arg9[%parallel_loop3A_265, %parallel_loop3A_266] {strides = array<i32>} : memref<200x158xf32, #tpu.memory_space<vmem>>, vector<16xf32>,
          tpu.vector_store %arg9[%parallel_loop3A_265, %parallel_loop3A_266], %parallel_loop3A_263 {strides = array<i32>} : memref<200x158xf32, #tpu.memory_space<vmem>>, vector<16xf32>,
          %parallel_loop3A_268 = arith.constant 142 : i32
          %parallel_loop3A_269 = vector.broadcast %parallel_loop3A_268 : i32 to vector<16xi32>
          %parallel_loop3A_270 = arith.addi %parallel_loop3A_269, %iota3A_142 : vector<16xi32>
          %parallel_loop3A_271 = arith.addi %parallel_loop3A_186, %parallel_loop3A_270 : vector<16xi32>
          %parallel_loop3A_272 = tpu.vector_load_idx %arg5[%parallel_loop3A_271] : memref<3072xf32, #tpu.memory_space<vmem>>[vector<16xi32>], vector<16xf32>,
          %parallel_loop3A_273 = arith.addi %parallel_loop3A_166, %parallel_loop3A_172 : i32
          %parallel_loop3A_274 = arith.index_cast %parallel_loop3A_273 : i32 to index
          %parallel_loop3A_275 = arith.constant 142 : index
          %parallel_loop3A_276 = tpu.vector_load %arg9[%parallel_loop3A_274, %parallel_loop3A_275] {strides = array<i32>} : memref<200x158xf32, #tpu.memory_space<vmem>>, vector<16xf32>,
          tpu.vector_store %arg9[%parallel_loop3A_274, %parallel_loop3A_275], %parallel_loop3A_272 {strides = array<i32>} : memref<200x158xf32, #tpu.memory_space<vmem>>, vector<16xf32>,
        } {sc.loop_unroll_factor = 4 : i64, sc.parallel_access}
      } {sc.loop_unroll_factor = 1 : i64, sc.parallel_access}
      %dma_start3A_146 = arith.constant 0 : i32
      %dma_start3A_147 = arith.constant 0 : i32
      %dma_start3A_148 = tpu.memref_slice %arg4[%add3A_128, %dma_start3A_146, %dma_start3A_147] : memref<16384x200x158xf32, #tpu.memory_space<hbm>> -> memref<1x200x158xf32, #tpu.memory_space<hbm>>
      %dma_start3A_149 = tpu.memref_squeeze %dma_start3A_148 : memref<1x200x158xf32, #tpu.memory_space<hbm>> -> memref<200x158xf32, #tpu.memory_space<hbm>>
      %dma_start3A_150 = arith.constant 0 : i32
      %dma_start3A_151 = arith.constant 0 : i32
      %dma_start3A_152 = tpu.memref_slice %arg4[%add3A_128, %dma_start3A_150, %dma_start3A_151] : memref<16384x200x158xf32, #tpu.memory_space<hbm>> -> memref<1x200x158xf32, #tpu.memory_space<hbm>>
      %dma_start3A_153 = tpu.memref_squeeze %dma_start3A_152 : memref<1x200x158xf32, #tpu.memory_space<hbm>> -> memref<200x158xf32, #tpu.memory_space<hbm>>
      tpu.enqueue_dma source(%arg9 : memref<200x158xf32, #tpu.memory_space<vmem>>) target(%dma_start3A_153 : memref<200x158xf32, #tpu.memory_space<hbm>>) target_semaphore(%arg14 : memref<!tpu.dma_semaphore, #tpu.memory_space<semaphore_mem>>)
      %add3A_154 = arith.constant 2 : i32
      %add3A_155 = arith.addi %add3A_128, %add3A_154 : i32
      %min3A_156 = arith.constant 16383 : i32
      %min3A_157 = arith.minsi %add3A_155, %min3A_156 : i32
      %mul3A_158 = arith.constant 200 : i32
      %mul3A_159 = arith.muli %min3A_157, %mul3A_158 : i32
      %dma_start3A_160 = tpu.memref_slice %arg2[%mul3A_159] : memref<3276800xi32, #tpu.memory_space<hbm>> -> memref<200xi32, #tpu.memory_space<hbm>>
      %dma_start3A_161 = tpu.memref_slice %arg2[%mul3A_159] : memref<3276800xi32, #tpu.memory_space<hbm>> -> memref<200xi32, #tpu.memory_space<hbm>>
      tpu.enqueue_dma source(%dma_start3A_161 : memref<200xi32, #tpu.memory_space<hbm>>) target(%arg7 : memref<200xi32, #tpu.memory_space<vmem>>) target_semaphore(%arg12 : memref<!tpu.dma_semaphore, #tpu.memory_space<semaphore_mem>>)
    }
    %scan3A_61 = arith.constant 255 : i32
    %dma_wait3A_62 = arith.constant 0 : i32
    %dma_wait3A_63 = arith.constant 0 : i32
    %dma_wait3A_64 = arith.constant 0 : i32
    %dma_wait3A_65 = tpu.memref_slice %arg4[%dma_wait3A_62, %dma_wait3A_63, %dma_wait3A_64] : memref<16384x200x158xf32, #tpu.memory_space<hbm>> -> memref<1x200x158xf32, #tpu.memory_space<hbm>>
    %dma_wait3A_66 = tpu.memref_squeeze %dma_wait3A_65 : memref<1x200x158xf32, #tpu.memory_space<hbm>> -> memref<200x158xf32, #tpu.memory_space<hbm>>
    %dma_wait3A_67 = arith.constant 0 : i32
    %dma_wait3A_68 = arith.constant 0 : i32
    %dma_wait3A_69 = tpu.memref_slice %arg4[%dma_wait3A_62, %dma_wait3A_67, %dma_wait3A_68] : memref<16384x200x158xf32, #tpu.memory_space<hbm>> -> memref<1x200x158xf32, #tpu.memory_space<hbm>>
    %dma_wait3A_70 = tpu.memref_squeeze %dma_wait3A_69 : memref<1x200x158xf32, #tpu.memory_space<hbm>> -> memref<200x158xf32, #tpu.memory_space<hbm>>
    tpu.wait_dma2 semaphore(%arg13 : memref<!tpu.dma_semaphore, #tpu.memory_space<semaphore_mem>>) src(%arg8 : memref<200x158xf32, #tpu.memory_space<vmem>>) dst(%dma_wait3A_70 : memref<200x158xf32, #tpu.memory_space<hbm>>)
    %dma_wait3A_71 = arith.constant 0 : i32
    %dma_wait3A_72 = arith.constant 0 : i32
    %dma_wait3A_73 = arith.constant 0 : i32
    %dma_wait3A_74 = tpu.memref_slice %arg4[%dma_wait3A_71, %dma_wait3A_72, %dma_wait3A_73] : memref<16384x200x158xf32, #tpu.memory_space<hbm>> -> memref<1x200x158xf32, #tpu.memory_space<hbm>>
    %dma_wait3A_75 = tpu.memref_squeeze %dma_wait3A_74 : memref<1x200x158xf32, #tpu.memory_space<hbm>> -> memref<200x158xf32, #tpu.memory_space<hbm>>
    %dma_wait3A_76 = arith.constant 0 : i32
    %dma_wait3A_77 = arith.constant 0 : i32
    %dma_wait3A_78 = tpu.memref_slice %arg4[%dma_wait3A_71, %dma_wait3A_76, %dma_wait3A_77] : memref<16384x200x158xf32, #tpu.memory_space<hbm>> -> memref<1x200x158xf32, #tpu.memory_space<hbm>>
    %dma_wait3A_79 = tpu.memref_squeeze %dma_wait3A_78 : memref<1x200x158xf32, #tpu.memory_space<hbm>> -> memref<200x158xf32, #tpu.memory_space<hbm>>
    tpu.wait_dma2 semaphore(%arg14 : memref<!tpu.dma_semaphore, #tpu.memory_space<semaphore_mem>>) src(%arg9 : memref<200x158xf32, #tpu.memory_space<vmem>>) dst(%dma_wait3A_79 : memref<200x158xf32, #tpu.memory_space<hbm>>)
    %dma_wait3A_80 = arith.constant 0 : i32
    %dma_wait3A_81 = tpu.memref_slice %arg2[%dma_wait3A_80] : memref<3276800xi32, #tpu.memory_space<hbm>> -> memref<200xi32, #tpu.memory_space<hbm>>
    %dma_wait3A_82 = arith.constant 0 : i32
    %dma_wait3A_83 = tpu.memref_slice %arg2[%dma_wait3A_82] : memref<3276800xi32, #tpu.memory_space<hbm>> -> memref<200xi32, #tpu.memory_space<hbm>>
    tpu.wait_dma2 semaphore(%arg11 : memref<!tpu.dma_semaphore, #tpu.memory_space<semaphore_mem>>) src(%dma_wait3A_83 : memref<200xi32, #tpu.memory_space<hbm>>) dst(%arg6 : memref<200xi32, #tpu.memory_space<vmem>>)
    %dma_wait3A_84 = arith.constant 0 : i32
    %dma_wait3A_85 = tpu.memref_slice %arg2[%dma_wait3A_84] : memref<3276800xi32, #tpu.memory_space<hbm>> -> memref<200xi32, #tpu.memory_space<hbm>>
    %dma_wait3A_86 = arith.constant 0 : i32
    %dma_wait3A_87 = tpu.memref_slice %arg2[%dma_wait3A_86] : memref<3276800xi32, #tpu.memory_space<hbm>> -> memref<200xi32, #tpu.memory_space<hbm>>
    tpu.wait_dma2 semaphore(%arg12 : memref<!tpu.dma_semaphore, #tpu.memory_space<semaphore_mem>>) src(%dma_wait3A_87 : memref<200xi32, #tpu.memory_space<hbm>>) dst(%arg7 : memref<200xi32, #tpu.memory_space<vmem>>)
    return
  }
}

</mosaic_0001>

<sc_bundles>
// kernel: kernel.3.cloned.1.call-start
scs
__scs_entry_jumppad:
0x0: {  	(pc) =	sbr.rel $0x88, $3  }
0x1: {  	(tag) =	ssettag $0x0;
	lr =	simm.s32 $0x1  }
0x2: {  	[smem:$0x3F9F] =	sst lr;
	_ =	strace $0xD0000000  }
0x3: {  	_ = 	snop  }
0x4: {  	_ = 	snop  }
0x5: {  	_ = 	snop  }
0x6: {  	_ = 	snop  }
0x7: {  	_ = 	snop  }
__scs_overlays_trampoline_lowered:
0x8: {  	[smem:$0x3FAE] =	sst s0  }
0x9: {  	[smem:$0x3FAF] =	sst s1  }
0xa: {  	[smem:$0x3FB0] =	sst s2  }
0xb: {  	[smem:$0x3FB1] =	sst s3  }
0xc: {  	[smem:$0x3FB2] =	sst s4  }
0xd: {  	[smem:$0x3FB3] =	sst s5  }
0xe: {  	[smem:$0x3FB4] =	sst s6  }
0xf: {  	[smem:$0x3FB5] =	sst s7  }
0x10: {  	[smem:$0x3FB6] =	sst s8  }
0x11: {  	[smem:$0x3FB7] =	sst s9;
	s0 =	simm.s32 @!p0 $0x0  }
0x12: {  	s1 =	sld [smem:$0x3F9D];
	s0 =	simm.s32 @p0 $0x1  }
0x13: {  	[smem:$0x3FB8] =	sst s0;
	s0 =	simm.s32 @!p1 $0x0  }
0x14: {  	s2 =	sld [smem:$0x3F9C];
	s0 =	simm.s32 @p1 $0x1  }
0x15: {  	[smem:$0x3FB9] =	sst s0;
	s0 =	simm.s32 @!p2 $0x0  }
0x16: {  	s3 =	sld [smem:$0x3FDB];
	s0 =	simm.s32 @p2 $0x1  }
0x17: {  	s4 =	simm.s32 $0x1BF5;
	[smem:$0x3FBB] =	sst s0  }
0x18: {  	s0 =	sld [smem:$0x3F9E];
	_ =	swait.ge [sflag:s4], $0x0  }
0x19: {  	s7 =	sld [smem:$0x3F9F]  }
0x1a: {  	s8 =	sadd.s32 $0xFFFFE003, lr  }
0x1b: {  	s9 =	sadd.s32 $0xFFFFFEF7, lr;
	s5 =	simm.s32 $0xFFFFFFFF;
	p2 =	slt.u32 s8, $0xFFFFF086  }
0x1c: {  	p1 =	slt.u32 s9, $0xF7A;
	s5 =	simm.s32 @!p2 $0x0  }
0x1d: {  	s5 =	simm.s32 @p1 $0x1;
	p0 =	seq.s32 s7, s2  }
0x1e: {  	s7 =	smul.u32 @!p0 $0xF7A, s2;
	p2 =	seq.s32 @!p0 s5, $0x0  }
0x1f: {  	s9 =	smul.u32 $0xF7A, s1;
	s8 =	simm.s32 @!p0 $0x1BF5;
	p2 =	por !p2, p0  }
0x20: {  	[sflag:s8] =	ssyncset.s32 @!p0 $0xFFFFF086;
	s6 =	sadd.s32 @!p0 s3, s7;
	s7 =	simm.s32 @!p0 $0x108  }
0x21: {  	s3 =	sadd.s32 s3, s9;
	s6 =	sadd.s32 @!p0 $0x88, s6;
	s7 =	simm.s32 @p2 $0x1082  }
0x22: {  	[simem:s7], [sflag:s8] =	dma.local @!p0 [hbm:s6], $0xF7A  }
0x23: {  	s9 =	sor.u32 $0xD0000000, s2;
	s6 =	simm.s32 $0x108;
	_ =	swait.ge @!p0 [sflag:s8], $0x0  }
0x24: {  	s3 =	sadd.s32 $0x88, s3;
	s6 =	simm.s32 @!p1 $0x1082;
	[sflag:s4] =	ssyncset.s32 $0xFFFFF086  }
0x25: {  	[simem:s6], [sflag:s4] =	dma.local [hbm:s3], $0xF7A  }
0x26: {  	[smem:$0x3F9F] =	sst s1;
	(tag) =	ssettag s2;
	_ =	strace s9  }
0x27: {  	s1 =	sld [smem:$0x3FAF]  }
0x28: {  	s2 =	sld [smem:$0x3FB0]  }
0x29: {  	s4 =	sld [smem:$0x3FB2]  }
0x2a: {  	p0 =	seq.s32 s5, $0x0;
	s5 =	sld [smem:$0x3FB3]  }
0x2b: {  	s6 =	sld [smem:$0x3FB4]  }
0x2c: {  	s7 =	sld [smem:$0x3FB5]  }
0x2d: {  	s3 =	simm.s32 $0x108;
	s8 =	sld [smem:$0x3FB6]  }
0x2e: {  	s3 =	simm.s32 @!p0 $0x1082;
	s9 =	sld [smem:$0x3FB7]  }
0x2f: {  	lr =	sadd.s32 s0, s3;
	s0 =	sld [smem:$0x3FAE]  }
0x30: {  	s3 =	sld [smem:$0x3FB1]  }
0x31: {  	[smem:$0x3FBA] =	sst s10  }
0x32: {  	s10 =	sld [smem:$0x3FB8];
	_ =	sdelay $0x3  }
0x33: {  	p0 =	seq.s32 s10, $0x1;
	s10 =	sld [smem:$0x3FBA];
	_ =	sdelay $0x3  }
0x34: {  	[smem:$0x3FBA] =	sst s10  }
0x35: {  	s10 =	sld [smem:$0x3FB9];
	_ =	sdelay $0x3  }
0x36: {  	p1 =	seq.s32 s10, $0x1;
	s10 =	sld [smem:$0x3FBA];
	_ =	sdelay $0x3  }
0x37: {  	[smem:$0x3FBA] =	sst s10  }
0x38: {  	s10 =	sld [smem:$0x3FBB]  }
0x39: {  	_ = 	snop;
	(pc) =	sbr.ind lr, $3  }
0x3a: {  	_ = 	snop  }
0x3b: {  	_ = 	snop  }
0x3c: {  	p2 =	seq.s32 s10, $0x1;
	s10 =	sld [smem:$0x3FBA]  }
0x3d: {  	_ =	shalt  }
0x3e: {  	_ =	shalt  }
0x3f: {  	_ =	shalt  }
0x40: {  	_ =	shalt  }
0x41: {  	_ =	shalt  }
0x42: {  	_ =	shalt  }
0x43: {  	_ =	shalt  }
0x44: {  	_ =	shalt  }
0x45: {  	_ =	shalt  }
0x46: {  	_ =	shalt  }
0x47: {  	_ =	shalt  }
0x48: {  	_ =	shalt  }
0x49: {  	_ =	shalt  }
0x4a: {  	_ =	shalt  }
0x4b: {  	_ =	shalt  }
0x4c: {  	_ =	shalt  }
0x4d: {  	_ =	shalt  }
0x4e: {  	_ =	shalt  }
0x4f: {  	_ =	shalt  }
0x50: {  	_ =	shalt  }
0x51: {  	_ =	shalt  }
0x52: {  	_ =	shalt  }
0x53: {  	_ =	shalt  }
0x54: {  	_ =	shalt  }
0x55: {  	_ =	shalt  }
0x56: {  	_ =	shalt  }
0x57: {  	_ =	shalt  }
0x58: {  	_ =	shalt  }
0x59: {  	_ =	shalt  }
0x5a: {  	_ =	shalt  }
0x5b: {  	_ =	shalt  }
0x5c: {  	_ =	shalt  }
0x5d: {  	_ =	shalt  }
0x5e: {  	_ =	shalt  }
0x5f: {  	_ =	shalt  }
0x60: {  	_ =	shalt  }
0x61: {  	_ =	shalt  }
0x62: {  	_ =	shalt  }
0x63: {  	_ =	shalt  }
0x64: {  	_ =	shalt  }
0x65: {  	_ =	shalt  }
0x66: {  	_ =	shalt  }
0x67: {  	_ =	shalt  }
0x68: {  	_ =	shalt  }
0x69: {  	_ =	shalt  }
0x6a: {  	_ =	shalt  }
0x6b: {  	_ =	shalt  }
0x6c: {  	_ =	shalt  }
0x6d: {  	_ =	shalt  }
0x6e: {  	_ =	shalt  }
0x6f: {  	_ =	shalt  }
0x70: {  	_ =	shalt  }
0x71: {  	_ =	shalt  }
0x72: {  	_ =	shalt  }
0x73: {  	_ =	shalt  }
0x74: {  	_ =	shalt  }
0x75: {  	_ =	shalt  }
0x76: {  	_ =	shalt  }
0x77: {  	_ =	shalt  }
0x78: {  	_ =	shalt  }
0x79: {  	_ =	shalt  }
0x7a: {  	_ =	shalt  }
0x7b: {  	_ =	shalt  }
0x7c: {  	_ =	shalt  }
0x7d: {  	_ =	shalt  }
0x7e: {  	_ =	shalt  }
0x7f: {  	_ =	shalt  }
0x80: {  	_ =	shalt  }
0x81: {  	_ =	shalt  }
0x82: {  	_ =	shalt  }
0x83: {  	_ =	shalt  }
0x84: {  	_ =	shalt  }
0x85: {  	_ =	shalt  }
0x86: {  	_ =	shalt  }
0x87: {  	_ =	shalt  }
.Lfunc_end0:
.L_simem_size_0:
called_computation_lowered:
.L_overlay_start_0:
0x88: {  	s2 =	sld [smem:$0x3FD9]  }
0x89: {  	s3 =	sld [smem:$0x3FFE];
	_ =	sdelay $0x1  }
0x8a: {  	s1 =	srdreg.scid  }
0x8b: {  	s0 =	sand.u32 $0x1, s1  }
0x8c: {  	s17 =	sshll.u32 s0, $0xA;
	s2 =	sadd.s32 s3, s2  }
0x8d: {  	s2 =	sadd.s32 s2, s17  }
0x8e: {  	[smem:$0x3FC6] =	sst s2  }
0x8f: {  	_ = 	snop  }
0x90: {  	s2 =	sld [smem:$0x3FD0];
	(tm) =	ssettm $0x1  }
0x91: {  	s18 =	sld [smem:$0x3FFB];
	_ =	sdelay $0x3  }
0x92: {  	_ =	strace s18  }
0x93: {  	s3 =	sld [smem:$0x3FFC];
	_ =	sdelay $0x3  }
0x94: {  	_ =	strace s3  }
0x95: {  	s3 =	sld [smem:$0x3FFD];
	_ =	sdelay $0x3  }
0x96: {  	_ =	strace s3  }
0x97: {  	_ =	strace $0x8FFFFFFF  }
0x98: {  	s19 =	sld [smem:$0x3FDB];
	_ =	sdelay $0x1  }
0x99: {  	s4 =	simm.s32 $_scs_section_size  }
0x9a: {  	s5 =	simm.s32 $_size__tile_overlayer_lowered;
	s6 =	simm.s32 $_tile_overlayer_lowered  }
0x9b: {  	s22 =	simm.s32 $0x1BFF;
	s21 =	sshll.u32 s6, $0x1;
	s3 =	sadd.s32 s4, s19  }
0x9c: {  	s7 =	simm.s32 $0x0;
	s20 =	sshll.u32 s5, $0x1;
	s5 =	sadd.s32 s21, s3  }
0x9d: {  	[timem:s7], [sflag:s22] =	dma.local [hbm:s5], s20  }
0x9e: {  	_ =	swait.ge [sflag:s22], s20  }
0x9f: {  	s4 =	ssub.s32 $0x0, s20;
	[sflag:s22] =	ssyncset.done $0x0  }
0xa0: {  	[sflag:s22] =	ssyncadd.s32 s4;
	_ =	sdelay $0x1  }
0xa1: {  	s23 =	simm.s32 $0x1B8B  }
0xa2: {  	_ =	swait.ge [sflag:s23], $0x1  }
0xa3: {  	[sflag:s23] =	ssyncset.done $0x0  }
0xa4: {  	s25 =	simm.s32 $0x1B8E;
	s24 =	sld [smem:$0x3FFE];
	[sflag:s23] =	ssyncadd.s32 $0xFFFFFFFF  }
0xa5: {  	s26 =	simm.s32 $execute0_lowered;
	[smem:$0x3FD2] =	sst s25  }
0xa6: {  	s5 =	sshll.u32 s26, $0x1;
	_ =	strace $0x80000046;
	[dreg:$0x1] =	wrdreg $0xFFFFFFFF  }
0xa7: {  	s28 =	simm.s32 $_size_execute0_lowered;
	s3 =	sadd.s32 s3, s5;
	[dreg:$0x0] =	wrdreg $0x0  }
0xa8: {  	s5 =	sshll.u32 s28, $0x1;
	[dreg:$0x2] =	wrdreg s3  }
0xa9: {  	[dreg:$0x3] =	wrdreg s5  }
0xaa: {  	[dreg:$0x4] =	wrdreg $0xC0  }
0xab: {  	_ =	task [dreg:s7], $0x5FFFF  }
0xac: {  	[dreg:$0x1] =	wrdreg $0xFFFFFFFF  }
0xad: {  	[dreg:$0x0] =	wrdreg $0x60  }
0xae: {  	[dreg:$0x2] =	wrdreg s2  }
0xaf: {  	[dreg:$0x3] =	wrdreg s24  }
0xb0: {  	[dreg:$0x4] =	wrdreg $0x9  }
0xb1: {  	_ =	task.clear_ibuf [dreg:s7], $0x5FFFF;
	_ =	strace $0x90000046  }
0xb2: {  	s29 =	simm.s32 $0x9;
	_ =	strace $0x80000048  }
0xb3: {  	_ =	swait.ge [sflag:s29], $0x1  }
0xb4: {  	[sflag:s29] =	ssyncadd.s32 $0xFFFFFFFF  }
0xb5: {  	_ =	strace $0x90000048  }
0xb6: {  	_ =	sfence  }
0xb7: {  	s30 =	sld [smem:$0x0];
	_ =	sdelay $0x2  }
0xb8: {  	s31 =	sshll.u32 s1, $0xD;
	s1 =	sshrl.u32 s1, $0x2  }
0xb9: {  	s3 =	sand.u32 $0x4000, s31;
	s1 =	sadd.s32 s1, s30  }
0xba: {  	s0 =	sor.u32 s3, s0;
	s1 =	sshll.u32 s1, $0x11  }
0xbb: {  	s0 =	sor.u32 s1, s0  }
0xbc: {  	s0 =	sadd.s32 $0x8F2B, s0  }
0xbd: {  	[sflag:s0] =	ssyncadd.remote.s32 $0x1  }
0xbe: {  	_ =	sfence.sel $0xFFFF  }
0xbf: {  	[dreg:$0x0] =	wrdreg $0xFFFFFFFF;
	(pc) =	sbr.abs _section_cstart, $3  }
0xc0: {  	[dreg:$0x1] =	wrdreg $0xFFFFFFFF  }
0xc1: {  	_ =	task.clear_ibuf [dreg:s7], $0x2FFFF;
	_ =	strace $0x9FFFFFFF  }
0xc2: {  	(tm) =	ssettm $0x7FFFFFFF  }
0xc3: {  	_ =	shalt  }
tec
execute0_lowered:
.L_overlay_start_1:
0x0: {  	(tag) =	ssettag $0x1  }
0x1: {  	s0 =	srdreg.scid;
	s1 =	stileid.u32  }
0x2: {  	s2 =	rddreg [dreg:$0x0];
	s0 =	sand.u32 $0x1, s0;
	s1 =	sshll.u32 s1, $0x1  }
0x3: {  	s6 =	rddreg [dreg:$0x1];
	s5 =	simm.s32 $0x0;
	s1 =	sor.u32 s0, s1  }
0x4: {  	s14 =	simm.s32 $0xC00;
	s15 =	simm.s32 $0xD00;
	s3 =	smul.u32 $0x3200, s1  }
0x5: {  	s17 =	simm.s32 $0x2;
	s4 =	sshll.u32 s1, $0x9;
	s1 =	smul.u32 $0x320000, s1  }
0x6: {  	[smem:$0x7FF] =	sst s5;
	s6 =	sadd.s32 $0x200, s6;
	s0 =	ssub.s32 $0x2, s0  }
0x7: {  	_ =	strace $0x80000047;
	s9 =	sshrl.u32 s0, $0x1;
	s1 =	sadd.s32 s6, s1  }
0x8: {  	s0 =	ssub.s32 s0, s9;
	s3 =	sadd.s32 s2, s3;
	[dreg:$0x5] =	wrdreg s1  }
0x9: {  	s7 =	sor.u32 $0x1, s4;
	s0 =	smax.u32 s0, $0x1;
	[dreg:$0x3] =	wrdreg s3  }
0xa: {  	s8 =	smul.u32 $0x19, s7;
	s29 =	sadd.s32 $0x32, s3;
	[dreg:$0x9] =	wrdreg s0  }
0xb: {  	v0 =	vlaneseq.u32;
	s7 =	smul.u32 $0x1900, s7;
	s31 =	sadd.s32 $0x4B, s3;
	[dreg:$0x6] =	wrdreg s29  }
0xc: {  	s19 =	simm.s32 $0x3;
	v1 =	vor.u32 $0x10, v0;
	v2 =	vor.u32 $0x20, v0;
	v3 =	vor.u32 $0x30, v0;
	s8 =	sadd.s32 s2, s8;
	[dreg:$0x8] =	wrdreg s31  }
0xd: {  	s21 =	simm.s32 $0x4;
	v4 =	vor.u32 $0x40, v0;
	v5 =	vor.u32 $0x50, v0;
	v6 =	vor.u32 $0x60, v0;
	s30 =	sadd.s32 s6, s7;
	[dreg:$0x4] =	wrdreg s8  }
0xe: {  	s22 =	simm.s32 $0x5;
	v7 =	vor.u32 $0x70, v0;
	v8 =	vor.u32 $0x80, v0;
	v9 =	vadd.s32 $0x8E, v0;
	s1 =	simm.s32 $0x0;
	[dreg:$0x7] =	wrdreg s30  }
.LBB2_1:
0xf: {  	[dreg:$0xa] =	wrdreg s1  }
0x10: {  	s0 =	rddreg [dreg:$0x1]  }
0x11: {  	[tilespmem:s5], [sflag:$0x1] =	stream.linear.gather [hbm4b:s0+s5], $0xC00, $0x38;
	[tilespmem:$0x19E00] =	vst v63  }
0x12: {  	s29 =	rddreg [dreg:$0x3]  }
0x13: {  	[tilespmem:s14], [sflag:$0x2] =	stream.linear.gather [hbm4b:s29+s5], $0xC8, $0x38;
	[tilespmem:$0x19E00] =	vst v63  }
0x14: {  	s30 =	rddreg [dreg:$0x4];
	s31 =	simm.s32 $0x1  }
0x15: {  	[tilespmem:s15], [sflag:$0x3] =	stream.linear.gather [hbm4b:s30+s5], $0xC8, $0x38;
	[tilespmem:$0x19E00] =	vst v63  }
0x16: {  	_ =	swait.ge [sflag:s31], $0xC00  }
0x17: {  	[sflag:s31] =	ssyncset.done $0x0  }
0x18: {  	s1 =	simm.s32 $0x40;
	s0 =	simm.s32 $0x0;
	[sflag:s31] =	ssyncadd.s32 $0xFFFFF400  }
.LBB2_2:
0x19: {  	p0 =	sne.s32 s1, $0x2FC0;
	v10 =	vld [tilespmem:s0+$0x0];
	_ =	sdelay $0x2  }
.Ltmp0:
0x1a: {  	(pc) =	sbr.rel @p0 .LBB2_2-.Ltmp0, $3  }
0x1b: {  	_ = 	snop  }
0x1c: {  	v10 =	vmul.f32 $1.256980510e+01, v10;
	_ =	sdelay $0x1  }
0x1d: {  	[tilespmem:s0+$0x0] =	vst v10;
	s0 =	sshra.s32 s1, $0x2;
	s1 =	sadd.s32 $0x40, s1  }
0x1e: {  	v10 =	vld [tilespmem:s0+$0x0];
	_ =	sdelay $0x4  }
0x1f: {  	v10 =	vmul.f32 $1.256980510e+01, v10;
	_ =	sdelay $0x1  }
0x20: {  	[tilespmem:s0+$0x0] =	vst v10  }
0x21: {  	_ =	swait.ge [sflag:s17], $0xC8  }
0x22: {  	s24 =	simm.s32 $0x0;
	[sflag:s17] =	ssyncset.done $0x0  }
0x23: {  	s25 =	simm.s32 $0x0;
	s26 =	simm.s32 $0x0;
	[sflag:s17] =	ssyncadd.s32 $0xFFFFFF38  }
.LBB2_4:
0x24: {  	s0 =	sshll.u32 s26, $0x4  }
0x25: {  	s0 =	smin.u32 s0, $0xB8  }
0x26: {  	v11 =	vld [tilespmem:s0+$0xC00];
	_ =	sdelay $0x2  }
0x27: {  	s11 =	simm.s32 $0x1  }
0x28: {  	v10 =	vmov s11  }
0x29: {  	s12 =	simm.s32 $0x3;
	v10 =	vperm.xlane v11, v10  }
0x2a: {  	v12 =	vmov s12  }
0x2b: {  	v12 =	vperm.xlane v11, v12;
	v18 =	vshll.u32 v10, $0x8  }
0x2c: {  	s13 =	simm.s32 $0x2;
	v10 =	vmov s24;
	v13 =	vor.u32 v0, v18  }
0x2d: {  	v14 =	vmov s13;
	v17 =	vshll.u32 v12, $0x8;
	v10 =	vperm.xlane v11, v10  }
0x2e: {  	v12 =	vperm.xlane v11, v14;
	v14 =	vor.u32 v0, v17  }
0x2f: {  	v10 =	vshll.u32 v10, $0x8  }
0x30: {  	v19 =	vshll.u32 v12, $0x8;
	v15 =	vor.u32 v0, v10  }
0x31: {  	s16 =	smin.u32 s25, $0xB8;
	v12 =	vor.u32 v0, v19;
	v13 =	vld.idx.msk [tilespmem:v13+s5+$0x0], $0xffff  }
0x32: {  	s11 =	sshll.u32 s16, $0x8;
	v16 =	vor.u32 v1, v18  }
0x33: {  	s1 =	simm.s32 $0x80;
	s0 =	sand.u32 $0x1F800, s11;
	v14 =	vld.idx.msk [tilespmem:v14+s5+$0x0], $0xffff  }
0x34: {  	s1 =	sand.u32 $0x280, s1;
	s0 =	sadd.s32 $0xE00, s0;
	v20 =	vor.u32 v1, v17  }
0x35: {  	s3 =	simm.s32 $0x180;
	s29 =	sadd.s32 s1, s0;
	v15 =	vld.idx.msk [tilespmem:v15+s5+$0x0], $0xffff  }
0x36: {  	s18 =	sand.u32 $0x380, s3;
	v21 =	vor.u32 v1, v10;
	v12 =	vld.idx.msk [tilespmem:v12+s5+$0x0], $0xffff;
	[tilespmem:s29+$0x0] =	vst v13  }
0x37: {  	s20 =	simm.s32 $0x0;
	s28 =	sadd.s32 s18, s0;
	v13 =	vor.u32 v1, v19;
	v16 =	vld.idx.msk [tilespmem:v16+s5+$0x0], $0xffff  }
0x38: {  	s31 =	simm.s32 $0x100;
	s23 =	sand.u32 $0x200, s20;
	[tilespmem:s28+$0x0] =	vst v14;
	v14 =	vor.u32 v2, v18  }
0x39: {  	s8 =	sand.u32 $0x300, s31;
	s7 =	sadd.s32 s23, s0;
	v20 =	vld.idx.msk [tilespmem:v20+s5+$0x0], $0xffff  }
0x3a: {  	s30 =	sadd.s32 s8, s0;
	[tilespmem:s7+$0x0] =	vst v15;
	v15 =	vor.u32 v2, v17  }
0x3b: {  	[tilespmem:s30+$0x0] =	vst v12;
	v21 =	vld.idx.msk [tilespmem:v21+s5+$0x0], $0xffff  }
0x3c: {  	v12 =	vld.idx.msk [tilespmem:v13+s5+$0x0], $0xffff;
	v13 =	vor.u32 v2, v10;
	[tilespmem:s29+$0x10] =	vst v16  }
0x3d: {  	v16 =	vor.u32 v2, v19;
	v14 =	vld.idx.msk [tilespmem:v14+s5+$0x0], $0xffff  }
0x3e: {  	v22 =	vor.u32 v3, v18;
	[tilespmem:s28+$0x10] =	vst v20  }
0x3f: {  	v15 =	vld.idx.msk [tilespmem:v15+s5+$0x0], $0xffff  }
0x40: {  	v20 =	vor.u32 v3, v17;
	[tilespmem:s7+$0x10] =	vst v21  }
0x41: {  	[tilespmem:s30+$0x10] =	vst v12;
	v12 =	vld.idx.msk [tilespmem:v13+s5+$0x0], $0xffff  }
0x42: {  	v13 =	vld.idx.msk [tilespmem:v16+s5+$0x0], $0xffff;
	v16 =	vor.u32 v3, v10;
	[tilespmem:s29+$0x20] =	vst v14  }
0x43: {  	v14 =	vor.u32 v3, v19;
	v21 =	vld.idx.msk [tilespmem:v22+s5+$0x0], $0xffff  }
0x44: {  	v22 =	vor.u32 v4, v18;
	[tilespmem:s28+$0x20] =	vst v15  }
0x45: {  	v15 =	vld.idx.msk [tilespmem:v20+s5+$0x0], $0xffff  }
0x46: {  	s9 =	simm.s32 $0x4;
	[tilespmem:s7+$0x20] =	vst v12;
	v12 =	vor.u32 v4, v17  }
0x47: {  	[tilespmem:s30+$0x20] =	vst v13;
	v13 =	vld.idx.msk [tilespmem:v16+s5+$0x0], $0xffff;
	v16 =	vmov s9  }
0x48: {  	s10 =	simm.s32 $0x5;
	s12 =	simm.s32 $0x7;
	v23 =	vor.u32 v4, v10;
	v20 =	vld.idx.msk [tilespmem:v14+s5+$0x0], $0xffff;
	v14 =	vperm.xlane v11, v16;
	[tilespmem:s29+$0x30] =	vst v21  }
0x49: {  	v24 =	vmov s10;
	v25 =	vmov s12;
	v16 =	vor.u32 v4, v19;
	v21 =	vld.idx.msk [tilespmem:v22+s5+$0x0], $0xffff  }
0x4a: {  	v24 =	vperm.xlane v11, v24;
	v22 =	vor.u32 v5, v18;
	v14 =	vshll.u32 v14, $0x8;
	[tilespmem:s28+$0x30] =	vst v15  }
0x4b: {  	s13 =	simm.s32 $0x6;
	v15 =	vperm.xlane v11, v25;
	v25 =	vor.u32 v0, v14;
	v26 =	vld.idx.msk [tilespmem:v12+s5+$0x0], $0xffff  }
0x4c: {  	v27 =	vor.u32 v5, v17;
	v12 =	vmov s13;
	[tilespmem:s7+$0x30] =	vst v13;
	v13 =	vshll.u32 v24, $0x8  }
0x4d: {  	[tilespmem:s30+$0x30] =	vst v20;
	v20 =	vperm.xlane v11, v12;
	v23 =	vld.idx.msk [tilespmem:v23+s5+$0x0], $0xffff;
	v12 =	vshll.u32 v15, $0x8;
	v24 =	vor.u32 v0, v13  }
0x4e: {  	v28 =	vor.u32 v0, v12;
	v16 =	vld.idx.msk [tilespmem:v16+s5+$0x0], $0xffff;
	[tilespmem:s29+$0x40] =	vst v21  }
0x4f: {  	v15 =	vshll.u32 v20, $0x8;
	v21 =	vor.u32 v5, v19;
	v20 =	vld.idx.msk [tilespmem:v22+s5+$0x0], $0xffff  }
0x50: {  	v22 =	vor.u32 v0, v15;
	v25 =	vld.idx.msk [tilespmem:v25+s5+$0x0], $0xffff;
	[tilespmem:s28+$0x40] =	vst v26  }
0x51: {  	v26 =	vor.u32 v5, v10;
	v27 =	vld.idx.msk [tilespmem:v27+s5+$0x0], $0xffff  }
0x52: {  	s8 =	sadd.s32 $0x400, s11;
	v29 =	vor.u32 v6, v18;
	v24 =	vld.idx.msk [tilespmem:v24+s5+$0x0], $0xffff  }
0x53: {  	s18 =	simm.s32 $0x200;
	s16 =	sand.u32 $0x1F800, s8;
	[tilespmem:s30+$0x40] =	vst v16;
	v16 =	vld.idx.msk [tilespmem:v28+s5+$0x0], $0xffff;
	v28 =	vor.u32 v6, v17  }
0x54: {  	s1 =	sand.u32 $0x200, s18;
	s10 =	sadd.s32 $0xE00, s16;
	[tilespmem:s7+$0x40] =	vst v23;
	v23 =	vor.u32 v1, v13;
	v21 =	vld.idx.msk [tilespmem:v21+s5+$0x0], $0xffff  }
0x55: {  	s20 =	simm.s32 $0x280;
	s1 =	sadd.s32 s1, s10;
	[tilespmem:s29+$0x50] =	vst v20;
	v20 =	vor.u32 v1, v14;
	v22 =	vld.idx.msk [tilespmem:v22+s5+$0x0], $0xffff  }
0x56: {  	s0 =	sand.u32 $0x280, s20;
	s9 =	simm.s32 $0x380;
	[tilespmem:s1+$0x0] =	vst v25;
	v25 =	vld.idx.msk [tilespmem:v26+s5+$0x0], $0xffff;
	v26 =	vor.u32 v6, v19  }
0x57: {  	s3 =	sadd.s32 s0, s10;
	s23 =	sand.u32 $0x380, s9;
	v30 =	vor.u32 v1, v15;
	v29 =	vld.idx.msk [tilespmem:v29+s5+$0x0], $0xffff;
	[tilespmem:s28+$0x50] =	vst v27  }
0x58: {  	s12 =	simm.s32 $0x300;
	s0 =	sadd.s32 s23, s10;
	[tilespmem:s3+$0x0] =	vst v24;
	v24 =	vor.u32 v6, v10;
	v27 =	vld.idx.msk [tilespmem:v28+s5+$0x0], $0xffff  }
0x59: {  	s12 =	sand.u32 $0x300, s12;
	v23 =	vld.idx.msk [tilespmem:v23+s5+$0x0], $0xffff;
	[tilespmem:s0+$0x0] =	vst v16;
	v16 =	vor.u32 v1, v12  }
0x5a: {  	s10 =	sadd.s32 s12, s10;
	[tilespmem:s30+$0x50] =	vst v21;
	v21 =	vor.u32 v7, v17;
	v20 =	vld.idx.msk [tilespmem:v20+s5+$0x0], $0xffff  }
0x5b: {  	v28 =	vor.u32 v2, v13;
	[tilespmem:s10+$0x0] =	vst v22;
	v22 =	vld.idx.msk [tilespmem:v26+s5+$0x0], $0xffff  }
0x5c: {  	[tilespmem:s7+$0x50] =	vst v25;
	v25 =	vor.u32 v7, v18;
	v26 =	vld.idx.msk [tilespmem:v30+s5+$0x0], $0xffff  }
0x5d: {  	[tilespmem:s29+$0x60] =	vst v29;
	v29 =	vor.u32 v7, v19;
	v24 =	vld.idx.msk [tilespmem:v24+s5+$0x0], $0xffff  }
0x5e: {  	v30 =	vor.u32 v2, v15;
	v16 =	vld.idx.msk [tilespmem:v16+s5+$0x0], $0xffff;
	[tilespmem:s28+$0x60] =	vst v27  }
0x5f: {  	v27 =	vor.u32 v2, v14;
	[tilespmem:s3+$0x10] =	vst v23;
	v21 =	vld.idx.msk [tilespmem:v21+s5+$0x0], $0xffff  }
0x60: {  	v23 =	vor.u32 v2, v12;
	[tilespmem:s1+$0x10] =	vst v20;
	v20 =	vld.idx.msk [tilespmem:v28+s5+$0x0], $0xffff  }
0x61: {  	v28 =	vor.u32 v7, v10;
	v25 =	vld.idx.msk [tilespmem:v25+s5+$0x0], $0xffff;
	[tilespmem:s30+$0x60] =	vst v22  }
0x62: {  	v22 =	vor.u32 v3, v13;
	[tilespmem:s10+$0x10] =	vst v26;
	v26 =	vld.idx.msk [tilespmem:v29+s5+$0x0], $0xffff  }
0x63: {  	v29 =	vld.idx.msk [tilespmem:v30+s5+$0x0], $0xffff;
	[tilespmem:s7+$0x60] =	vst v24;
	v24 =	vor.u32 v8, v18  }
0x64: {  	v27 =	vld.idx.msk [tilespmem:v27+s5+$0x0], $0xffff;
	[tilespmem:s0+$0x10] =	vst v16;
	v16 =	vor.u32 v8, v19  }
0x65: {  	v30 =	vor.u32 v3, v15;
	v23 =	vld.idx.msk [tilespmem:v23+s5+$0x0], $0xffff;
	[tilespmem:s28+$0x70] =	vst v21  }
0x66: {  	v31 =	vor.u32 v3, v14;
	[tilespmem:s3+$0x20] =	vst v20;
	v20 =	vld.idx.msk [tilespmem:v28+s5+$0x0], $0xffff  }
0x67: {  	[tilespmem:s29+$0x70] =	vst v25;
	v28 =	vld.idx.msk [tilespmem:v22+s5+$0x0], $0xffff;
	v22 =	vor.u32 v3, v12  }
0x68: {  	v32 =	vor.u32 v8, v10;
	[tilespmem:s30+$0x70] =	vst v26;
	v33 =	vld.idx.msk [tilespmem:v24+s5+$0x0], $0xffff  }
0x69: {  	v34 =	vor.u32 v4, v13;
	[tilespmem:s10+$0x20] =	vst v29;
	v21 =	vld.idx.msk [tilespmem:v16+s5+$0x0], $0xffff  }
0x6a: {  	p1 =	por $0x0, $0x0;
	[tilespmem:s1+$0x20] =	vst v27;
	v24 =	vld.idx.msk [tilespmem:v30+s5+$0x0], $0xffff  }
0x6b: {  	p0 =	por !p1, !p1;
	s12 =	simm.s32 $0x1;
	s13 =	simm.s32 $0x1;
	v25 =	vld.idx.msk [tilespmem:v31+s5+$0x0], $0xffff;
	[tilespmem:s0+$0x20] =	vst v23;
	v23 =	vor.u32 v9, v18  }
0x6c: {  	s12 =	simm.s32 @!p1 $0x0;
	s13 =	simm.s32 @!p0 $0x0;
	v16 =	vor.u32 v4, v15;
	[tilespmem:s7+$0x70] =	vst v20;
	v26 =	vld.idx.msk [tilespmem:v22+s5+$0x0], $0xffff;
	v22 =	vor.u32 v9, v19  }
0x6d: {  	s31 =	sshll.u32 s12, $0x9;
	s13 =	sshll.u32 s13, $0x9;
	v18 =	vor.u32 v9, v17;
	v20 =	vor.u32 v8, v17;
	[tilespmem:s3+$0x30] =	vst v28;
	v19 =	vld.idx.msk [tilespmem:v32+s5+$0x0], $0xffff  }
0x6e: {  	s12 =	sadd.s32 s31, s11;
	s11 =	sadd.s32 s13, s8;
	s7 =	simm.s32 $0x8;
	v17 =	vor.u32 v4, v14;
	v28 =	vor.u32 v4, v12;
	v27 =	vld.idx.msk [tilespmem:v34+s5+$0x0], $0xffff;
	[tilespmem:s29+$0x400] =	vst v33  }
.LBB2_5:
0x6f: {  	s16 =	sadd.s32 $0x1, s7  }
0x70: {  	v29 =	vmov s7;
	s31 =	sadd.s32 $0x3, s7;
	v30 =	vor.u32 v5, v13;
	v31 =	vor.u32 v9, v10;
	v23 =	vld.idx.msk [tilespmem:v23+s5+$0x0], $0xffff;
	[tilespmem:s30+$0x400] =	vst v21;
	v10 =	vmovc v14;
	s23 =	smov.u32 s7;
	s13 =	sadd.s32 $0x4, s7  }
0x71: {  	p1 =	slt.u32 s7, $0xC;
	v14 =	vperm.xlane v11, v29;
	v21 =	vmov s16;
	s16 =	sadd.s32 $0x2, s23;
	v29 =	vmov s31;
	[tilespmem:s10+$0x30] =	vst v24;
	v22 =	vld.idx.msk [tilespmem:v22+s5+$0x0], $0xffff  }
0x72: {  	v21 =	vperm.xlane v11, v21;
	v24 =	vmov s16;
	v29 =	vperm.xlane v11, v29;
	[tilespmem:s1+$0x30] =	vst v25;
	v25 =	vld.idx.msk [tilespmem:v20+s5+$0x0], $0xffff  }
0x73: {  	s7 =	sor.u32 $0x400, s12;
	v14 =	vshll.u32 v14, $0x8;
	v24 =	vperm.xlane v11, v24;
	v32 =	vld.idx.msk [tilespmem:v17+s5+$0x0], $0xffff;
	[tilespmem:s0+$0x30] =	vst v26;
	v26 =	vor.u32 v5, v12  }
0x74: {  	v33 =	vor.u32 v0, v14;
	v20 =	vshll.u32 v21, $0x8;
	v17 =	vshll.u32 v29, $0x8;
	v21 =	vld.idx.msk [tilespmem:v28+s5+$0x0], $0xffff;
	[tilespmem:s7+$0xE00] =	vst v19  }
0x75: {  	v28 =	vor.u32 v0, v20;
	v19 =	vshll.u32 v24, $0x8;
	v24 =	vor.u32 v0, v17;
	[tilespmem:s3+$0x40] =	vst v27;
	v27 =	vld.idx.msk [tilespmem:v16+s5+$0x0], $0xffff  }
0x76: {  	v29 =	vor.u32 v0, v19;
	v16 =	vor.u32 v4, v19;
	v30 =	vld.idx.msk [tilespmem:v30+s5+$0x0], $0xffff;
	[tilespmem:s29+$0x40E] =	vst v23;
	s29 =	smov.u32 s3  }
0x77: {  	v23 =	vld.idx.msk [tilespmem:v31+s5+$0x0], $0xffff;
	[tilespmem:s30+$0x40E] =	vst v22;
	s30 =	smov.u32 s10  }
0x78: {  	[tilespmem:s28+$0x400] =	vst v25  }
0x79: {  	p0 =	por !p0, !p0;
	s3 =	simm.s32 $0x1;
	v22 =	vor.u32 v5, v15;
	[tilespmem:s1+$0x40] =	vst v32;
	v18 =	vld.idx.msk [tilespmem:v18+s5+$0x0], $0xffff  }
0x7a: {  	s3 =	simm.s32 @!p0 $0x0;
	v25 =	vld.idx.msk [tilespmem:v33+s5+$0x0], $0xffff;
	[tilespmem:s0+$0x40] =	vst v21  }
0x7b: {  	s9 =	sadd.s32 $0x200, s9;
	s8 =	sadd.s32 $0x400, s8;
	s3 =	sshll.u32 s3, $0x9;
	v21 =	vor.u32 v5, v10;
	[tilespmem:s30+$0x40] =	vst v27;
	v26 =	vld.idx.msk [tilespmem:v26+s5+$0x0], $0xffff  }
0x7c: {  	s7 =	sor.u32 $0x40E, s12;
	s12 =	smov.u32 s11;
	s11 =	sadd.s32 s3, s8;
	v27 =	vld.idx.msk [tilespmem:v28+s5+$0x0], $0xffff;
	[tilespmem:s29+$0x50] =	vst v30;
	v28 =	vor.u32 v6, v13  }
0x7d: {  	s10 =	sadd.s32 $0xFFFFFE80, s9;
	s3 =	sand.u32 $0x1F800, s8;
	v30 =	vor.u32 v6, v12;
	v24 =	vld.idx.msk [tilespmem:v24+s5+$0x0], $0xffff;
	[tilespmem:s7+$0xE00] =	vst v23  }
0x7e: {  	s7 =	sand.u32 $0x200, s10;
	s10 =	sadd.s32 $0xE00, s3;
	v23 =	vor.u32 v1, v20;
	v22 =	vld.idx.msk [tilespmem:v22+s5+$0x0], $0xffff  }
0x7f: {  	v31 =	vor.u32 v1, v14;
	s3 =	sadd.s32 $0xFFFFFF00, s9;
	s7 =	sadd.s32 s7, s10;
	v29 =	vld.idx.msk [tilespmem:v29+s5+$0x0], $0xffff;
	[tilespmem:s28+$0x40E] =	vst v18;
	s28 =	smov.u32 s0  }
0x80: {  	s0 =	sand.u32 $0x280, s3;
	[tilespmem:s7+$0x0] =	vst v25;
	v18 =	vld.idx.msk [tilespmem:v21+s5+$0x0], $0xffff;
	v21 =	vor.u32 v6, v15  }
0x81: {  	s3 =	sadd.s32 s0, s10;
	v25 =	vor.u32 v1, v19;
	s0 =	sand.u32 $0x380, s9;
	v28 =	vld.idx.msk [tilespmem:v28+s5+$0x0], $0xffff;
	[tilespmem:s28+$0x50] =	vst v26  }
0x82: {  	s16 =	sadd.s32 $0xFFFFFF80, s9;
	s0 =	sadd.s32 s0, s10;
	v26 =	vor.u32 v6, v10;
	[tilespmem:s3+$0x0] =	vst v27;
	v27 =	vld.idx.msk [tilespmem:v30+s5+$0x0], $0xffff  }
0x83: {  	s16 =	sand.u32 $0x300, s16;
	v23 =	vld.idx.msk [tilespmem:v23+s5+$0x0], $0xffff;
	[tilespmem:s0+$0x0] =	vst v24;
	v24 =	vor.u32 v1, v17  }
0x84: {  	s10 =	sadd.s32 s16, s10;
	v30 =	vld.idx.msk [tilespmem:v31+s5+$0x0], $0xffff;
	[tilespmem:s30+$0x50] =	vst v22;
	v22 =	vor.u32 v7, v12  }
0x85: {  	v31 =	vor.u32 v2, v20;
	[tilespmem:s10+$0x0] =	vst v29;
	v21 =	vld.idx.msk [tilespmem:v21+s5+$0x0], $0xffff  }
0x86: {  	v25 =	vld.idx.msk [tilespmem:v25+s5+$0x0], $0xffff;
	[tilespmem:s1+$0x50] =	vst v18;
	v18 =	vor.u32 v7, v13  }
0x87: {  	v26 =	vld.idx.msk [tilespmem:v26+s5+$0x0], $0xffff;
	[tilespmem:s29+$0x60] =	vst v28;
	v28 =	vor.u32 v7, v15  }
0x88: {  	v29 =	vor.u32 v2, v19;
	v24 =	vld.idx.msk [tilespmem:v24+s5+$0x0], $0xffff;
	[tilespmem:s28+$0x60] =	vst v27  }
0x89: {  	v27 =	vor.u32 v2, v14;
	[tilespmem:s3+$0x10] =	vst v23;
	v22 =	vld.idx.msk [tilespmem:v22+s5+$0x0], $0xffff  }
0x8a: {  	[tilespmem:s7+$0x10] =	vst v30;
	v23 =	vld.idx.msk [tilespmem:v31+s5+$0x0], $0xffff;
	v30 =	vor.u32 v2, v17  }
0x8b: {  	v31 =	vor.u32 v7, v10;
	v18 =	vld.idx.msk [tilespmem:v18+s5+$0x0], $0xffff;
	[tilespmem:s30+$0x60] =	vst v21  }
0x8c: {  	v21 =	vor.u32 v3, v20;
	[tilespmem:s10+$0x10] =	vst v25;
	v25 =	vld.idx.msk [tilespmem:v28+s5+$0x0], $0xffff  }
0x8d: {  	v28 =	vld.idx.msk [tilespmem:v29+s5+$0x0], $0xffff;
	[tilespmem:s1+$0x60] =	vst v26;
	v26 =	vor.u32 v8, v13  }
0x8e: {  	v27 =	vld.idx.msk [tilespmem:v27+s5+$0x0], $0xffff;
	[tilespmem:s0+$0x10] =	vst v24;
	v24 =	vor.u32 v8, v15  }
0x8f: {  	v29 =	vor.u32 v3, v19;
	v30 =	vld.idx.msk [tilespmem:v30+s5+$0x0], $0xffff;
	[tilespmem:s28+$0x70] =	vst v22  }
0x90: {  	v22 =	vor.u32 v3, v14;
	[tilespmem:s3+$0x20] =	vst v23;
	v31 =	vld.idx.msk [tilespmem:v31+s5+$0x0], $0xffff  }
0x91: {  	v33 =	vor.u32 v3, v17;
	v32 =	vld.idx.msk [tilespmem:v21+s5+$0x0], $0xffff;
	[tilespmem:s29+$0x70] =	vst v18  }
0x92: {  	v34 =	vor.u32 v8, v10;
	v35 =	vld.idx.msk [tilespmem:v26+s5+$0x0], $0xffff;
	[tilespmem:s30+$0x70] =	vst v25  }
0x93: {  	v36 =	vor.u32 v4, v20;
	[tilespmem:s10+$0x20] =	vst v28;
	v21 =	vld.idx.msk [tilespmem:v24+s5+$0x0], $0xffff  }
.Ltmp1:
0x94: {  	v23 =	vor.u32 v9, v13;
	v13 =	vmov v20;
	v18 =	vor.u32 v9, v12;
	[tilespmem:s7+$0x20] =	vst v27;
	v24 =	vld.idx.msk [tilespmem:v29+s5+$0x0], $0xffff;
	(pc) =	sbr.rel @p1 .LBB2_5-.Ltmp1, $4  }
0x95: {  	v20 =	vor.u32 v8, v12;
	v12 =	vmov v17;
	v25 =	vld.idx.msk [tilespmem:v22+s5+$0x0], $0xffff;
	[tilespmem:s0+$0x20] =	vst v30;
	v22 =	vor.u32 v9, v15  }
0x96: {  	v15 =	vmov v19;
	v26 =	vld.idx.msk [tilespmem:v33+s5+$0x0], $0xffff;
	[tilespmem:s1+$0x70] =	vst v31;
	s1 =	smov.u32 s7  }
0x97: {  	v17 =	vor.u32 v4, v14;
	[tilespmem:s3+$0x30] =	vst v32;
	v19 =	vld.idx.msk [tilespmem:v34+s5+$0x0], $0xffff  }
0x98: {  	v28 =	vor.u32 v4, v12;
	s7 =	smov.u32 s13;
	v27 =	vld.idx.msk [tilespmem:v36+s5+$0x0], $0xffff;
	[tilespmem:s29+$0x400] =	vst v35  }
0x99: {  	_ =	sdelay $0x2  }
0x9a: {  	[tilespmem:s10+$0x30] =	vst v24  }
0x9b: {  	v11 =	vor.u32 v5, v13;
	[tilespmem:s1+$0x30] =	vst v25;
	v16 =	vld.idx.msk [tilespmem:v16+s5+$0x0], $0xffff  }
0x9c: {  	v36 =	vor.u32 v5, v15;
	v17 =	vld.idx.msk [tilespmem:v17+s5+$0x0], $0xffff;
	[tilespmem:s0+$0x30] =	vst v26  }
0x9d: {  	v38 =	vor.u32 v5, v14;
	v37 =	vld.idx.msk [tilespmem:v28+s5+$0x0], $0xffff  }
0x9e: {  	v39 =	vor.u32 v5, v12  }
0x9f: {  	[tilespmem:s3+$0x40] =	vst v27  }
0xa0: {  	v11 =	vld.idx.msk [tilespmem:v11+s5+$0x0], $0xffff;
	[tilespmem:s10+$0x40] =	vst v16  }
0xa1: {  	v40 =	vor.u32 v6, v13;
	[tilespmem:s1+$0x40] =	vst v17;
	v41 =	vld.idx.msk [tilespmem:v36+s5+$0x0], $0xffff  }
0xa2: {  	v43 =	vor.u32 v6, v15;
	[tilespmem:s0+$0x40] =	vst v37;
	v42 =	vld.idx.msk [tilespmem:v38+s5+$0x0], $0xffff  }
0xa3: {  	v45 =	vor.u32 v6, v14;
	v44 =	vld.idx.msk [tilespmem:v39+s5+$0x0], $0xffff  }
0xa4: {  	v46 =	vor.u32 v6, v12  }
0xa5: {  	[tilespmem:s3+$0x50] =	vst v11  }
0xa6: {  	v11 =	vld.idx.msk [tilespmem:v40+s5+$0x0], $0xffff;
	[tilespmem:s10+$0x50] =	vst v41  }
0xa7: {  	v48 =	vor.u32 v7, v13;
	v47 =	vld.idx.msk [tilespmem:v43+s5+$0x0], $0xffff;
	[tilespmem:s1+$0x50] =	vst v42  }
0xa8: {  	v49 =	vor.u32 v7, v15;
	[tilespmem:s0+$0x50] =	vst v44;
	v24 =	vld.idx.msk [tilespmem:v45+s5+$0x0], $0xffff  }
0xa9: {  	v50 =	vor.u32 v7, v14;
	v26 =	vld.idx.msk [tilespmem:v46+s5+$0x0], $0xffff  }
0xaa: {  	[tilespmem:s30+$0x400] =	vst v21;
	v51 =	vor.u32 v7, v12  }
0xab: {  	v23 =	vld.idx.msk [tilespmem:v23+s5+$0x0], $0xffff;
	[tilespmem:s3+$0x60] =	vst v11  }
0xac: {  	v11 =	vld.idx.msk [tilespmem:v48+s5+$0x0], $0xffff;
	[tilespmem:s10+$0x60] =	vst v47  }
0xad: {  	v52 =	vor.u32 v8, v13;
	v16 =	vld.idx.msk [tilespmem:v49+s5+$0x0], $0xffff;
	[tilespmem:s1+$0x60] =	vst v24  }
0xae: {  	s7 =	sor.u32 $0x400, s12;
	v53 =	vor.u32 v8, v15;
	[tilespmem:s0+$0x60] =	vst v26;
	v54 =	vld.idx.msk [tilespmem:v50+s5+$0x0], $0xffff  }
0xaf: {  	v56 =	vor.u32 v8, v14;
	[tilespmem:s7+$0xE00] =	vst v19;
	v55 =	vld.idx.msk [tilespmem:v51+s5+$0x0], $0xffff  }
0xb0: {  	v57 =	vor.u32 v8, v12;
	v20 =	vld.idx.msk [tilespmem:v20+s5+$0x0], $0xffff;
	[tilespmem:s29+$0x40E] =	vst v23  }
0xb1: {  	v10 =	vor.u32 v9, v10;
	v22 =	vld.idx.msk [tilespmem:v22+s5+$0x0], $0xffff;
	[tilespmem:s3+$0x70] =	vst v11  }
0xb2: {  	v11 =	vld.idx.msk [tilespmem:v52+s5+$0x0], $0xffff;
	[tilespmem:s10+$0x70] =	vst v16  }
0xb3: {  	v58 =	vor.u32 v9, v13;
	v16 =	vld.idx.msk [tilespmem:v53+s5+$0x0], $0xffff;
	[tilespmem:s1+$0x70] =	vst v54  }
0xb4: {  	v59 =	vor.u32 v9, v15;
	[tilespmem:s0+$0x70] =	vst v55;
	v60 =	vld.idx.msk [tilespmem:v56+s5+$0x0], $0xffff  }
0xb5: {  	v61 =	vor.u32 v9, v14;
	[tilespmem:s28+$0x400] =	vst v20;
	v19 =	vld.idx.msk [tilespmem:v57+s5+$0x0], $0xffff  }
0xb6: {  	v62 =	vor.u32 v9, v12;
	v10 =	vld.idx.msk [tilespmem:v10+s5+$0x0], $0xffff;
	[tilespmem:s30+$0x40E] =	vst v22  }
0xb7: {  	v18 =	vld.idx.msk [tilespmem:v18+s5+$0x0], $0xffff;
	[tilespmem:s3+$0x400] =	vst v11  }
0xb8: {  	s29 =	sor.u32 $0x400, s11;
	v11 =	vld.idx.msk [tilespmem:v58+s5+$0x0], $0xffff;
	[tilespmem:s10+$0x400] =	vst v16  }
0xb9: {  	v63 =	vld.idx.msk [tilespmem:v59+s5+$0x0], $0xffff;
	[tilespmem:s29+$0xE00] =	vst v60  }
0xba: {  	s26 =	sadd.s32 $0x1, s26;
	s30 =	sor.u32 $0x40E, s12;
	v14 =	vld.idx.msk [tilespmem:v61+s5+$0x0], $0xffff;
	[tilespmem:s0+$0x400] =	vst v19  }
0xbb: {  	p0 =	sne.s32 s26, $0xD;
	[tilespmem:s30+$0xE00] =	vst v10;
	v10 =	vld.idx.msk [tilespmem:v62+s5+$0x0], $0xffff  }
.Ltmp2:
0xbc: {  	[tilespmem:s28+$0x40E] =	vst v18;
	(pc) =	sbr.rel @p0 .LBB2_4-.Ltmp2, $4  }
0xbd: {  	[tilespmem:s3+$0x40E] =	vst v11  }
0xbe: {  	s31 =	sor.u32 $0x40E, s11;
	[tilespmem:s10+$0x40E] =	vst v63  }
0xbf: {  	[tilespmem:s31+$0xE00] =	vst v14  }
0xc0: {  	s25 =	sadd.s32 $0x10, s25;
	[tilespmem:s0+$0x40E] =	vst v10  }
0xc1: {  	s24 =	simm.s32 $0x0;
	s0 =	rddreg [dreg:$0x5];
	s1 =	simm.s32 $0xE00  }
0xc2: {  	[hbm4b:s0+s24] =	stream.linear.scatter [tilespmem:s1], [sflag:$0x4], $0xC800, $0x38;
	[tilespmem:$0x19E00] =	vst v63  }
0xc3: {  	s31 =	rddreg [dreg:$0x6]  }
0xc4: {  	[tilespmem:s14], [sflag:$0x2] =	stream.linear.gather [hbm4b:s31+s24], $0xC8, $0x38;
	[tilespmem:$0x19E00] =	vst v63  }
0xc5: {  	_ =	swait.ge [sflag:s19], $0xC8  }
0xc6: {  	[sflag:s19] =	ssyncset.done $0x0  }
0xc7: {  	s25 =	simm.s32 $0x0;
	s26 =	simm.s32 $0x0;
	[sflag:s19] =	ssyncadd.s32 $0xFFFFFF38  }
.LBB2_8:
0xc8: {  	s0 =	sshll.u32 s26, $0x4  }
0xc9: {  	s0 =	smin.u32 s0, $0xB8  }
0xca: {  	v11 =	vld [tilespmem:s0+$0xD00];
	_ =	sdelay $0x2  }
0xcb: {  	s11 =	simm.s32 $0x1  }
0xcc: {  	v10 =	vmov s11  }
0xcd: {  	s12 =	simm.s32 $0x3;
	v10 =	vperm.xlane v11, v10  }
0xce: {  	v12 =	vmov s12  }
0xcf: {  	v12 =	vperm.xlane v11, v12;
	v18 =	vshll.u32 v10, $0x8  }
0xd0: {  	s13 =	simm.s32 $0x2;
	v10 =	vmov s24;
	v13 =	vor.u32 v0, v18  }
0xd1: {  	v14 =	vmov s13;
	v17 =	vshll.u32 v12, $0x8;
	v10 =	vperm.xlane v11, v10  }
0xd2: {  	v12 =	vperm.xlane v11, v14;
	v14 =	vor.u32 v0, v17  }
0xd3: {  	v10 =	vshll.u32 v10, $0x8  }
0xd4: {  	v19 =	vshll.u32 v12, $0x8;
	v15 =	vor.u32 v0, v10  }
0xd5: {  	s16 =	smin.u32 s25, $0xB8;
	v12 =	vor.u32 v0, v19;
	v13 =	vld.idx.msk [tilespmem:v13+s5+$0x0], $0xffff  }
0xd6: {  	s11 =	sshll.u32 s16, $0x8;
	v16 =	vor.u32 v1, v18  }
0xd7: {  	s1 =	simm.s32 $0x80;
	s0 =	sand.u32 $0x1F800, s11;
	v14 =	vld.idx.msk [tilespmem:v14+s5+$0x0], $0xffff  }
0xd8: {  	s1 =	sand.u32 $0x280, s1;
	s0 =	sadd.s32 $0xD600, s0;
	v20 =	vor.u32 v1, v17  }
0xd9: {  	s3 =	simm.s32 $0x180;
	s29 =	sadd.s32 s1, s0;
	v15 =	vld.idx.msk [tilespmem:v15+s5+$0x0], $0xffff  }
0xda: {  	s18 =	sand.u32 $0x380, s3;
	v21 =	vor.u32 v1, v10;
	v12 =	vld.idx.msk [tilespmem:v12+s5+$0x0], $0xffff;
	[tilespmem:s29+$0x0] =	vst v13  }
0xdb: {  	s20 =	simm.s32 $0x0;
	s28 =	sadd.s32 s18, s0;
	v13 =	vor.u32 v1, v19;
	v16 =	vld.idx.msk [tilespmem:v16+s5+$0x0], $0xffff  }
0xdc: {  	s31 =	simm.s32 $0x100;
	s23 =	sand.u32 $0x200, s20;
	[tilespmem:s28+$0x0] =	vst v14;
	v14 =	vor.u32 v2, v18  }
0xdd: {  	s8 =	sand.u32 $0x300, s31;
	s7 =	sadd.s32 s23, s0;
	v20 =	vld.idx.msk [tilespmem:v20+s5+$0x0], $0xffff  }
0xde: {  	s30 =	sadd.s32 s8, s0;
	[tilespmem:s7+$0x0] =	vst v15;
	v15 =	vor.u32 v2, v17  }
0xdf: {  	[tilespmem:s30+$0x0] =	vst v12;
	v21 =	vld.idx.msk [tilespmem:v21+s5+$0x0], $0xffff  }
0xe0: {  	v12 =	vld.idx.msk [tilespmem:v13+s5+$0x0], $0xffff;
	v13 =	vor.u32 v2, v10;
	[tilespmem:s29+$0x10] =	vst v16  }
0xe1: {  	v16 =	vor.u32 v2, v19;
	v14 =	vld.idx.msk [tilespmem:v14+s5+$0x0], $0xffff  }
0xe2: {  	v22 =	vor.u32 v3, v18;
	[tilespmem:s28+$0x10] =	vst v20  }
0xe3: {  	v15 =	vld.idx.msk [tilespmem:v15+s5+$0x0], $0xffff  }
0xe4: {  	v20 =	vor.u32 v3, v17;
	[tilespmem:s7+$0x10] =	vst v21  }
0xe5: {  	[tilespmem:s30+$0x10] =	vst v12;
	v12 =	vld.idx.msk [tilespmem:v13+s5+$0x0], $0xffff  }
0xe6: {  	v13 =	vld.idx.msk [tilespmem:v16+s5+$0x0], $0xffff;
	v16 =	vor.u32 v3, v10;
	[tilespmem:s29+$0x20] =	vst v14  }
0xe7: {  	v14 =	vor.u32 v3, v19;
	v21 =	vld.idx.msk [tilespmem:v22+s5+$0x0], $0xffff  }
0xe8: {  	v22 =	vor.u32 v4, v18;
	[tilespmem:s28+$0x20] =	vst v15  }
0xe9: {  	v15 =	vld.idx.msk [tilespmem:v20+s5+$0x0], $0xffff  }
0xea: {  	s9 =	simm.s32 $0x4;
	[tilespmem:s7+$0x20] =	vst v12;
	v12 =	vor.u32 v4, v17  }
0xeb: {  	[tilespmem:s30+$0x20] =	vst v13;
	v13 =	vld.idx.msk [tilespmem:v16+s5+$0x0], $0xffff;
	v16 =	vmov s9  }
0xec: {  	s10 =	simm.s32 $0x5;
	s12 =	simm.s32 $0x7;
	v23 =	vor.u32 v4, v10;
	v20 =	vld.idx.msk [tilespmem:v14+s5+$0x0], $0xffff;
	v14 =	vperm.xlane v11, v16;
	[tilespmem:s29+$0x30] =	vst v21  }
0xed: {  	v24 =	vmov s10;
	v25 =	vmov s12;
	v16 =	vor.u32 v4, v19;
	v21 =	vld.idx.msk [tilespmem:v22+s5+$0x0], $0xffff  }
0xee: {  	v24 =	vperm.xlane v11, v24;
	v22 =	vor.u32 v5, v18;
	v14 =	vshll.u32 v14, $0x8;
	[tilespmem:s28+$0x30] =	vst v15  }
0xef: {  	s13 =	simm.s32 $0x6;
	v15 =	vperm.xlane v11, v25;
	v25 =	vor.u32 v0, v14;
	v26 =	vld.idx.msk [tilespmem:v12+s5+$0x0], $0xffff  }
0xf0: {  	v27 =	vor.u32 v5, v17;
	v12 =	vmov s13;
	[tilespmem:s7+$0x30] =	vst v13;
	v13 =	vshll.u32 v24, $0x8  }
0xf1: {  	[tilespmem:s30+$0x30] =	vst v20;
	v20 =	vperm.xlane v11, v12;
	v23 =	vld.idx.msk [tilespmem:v23+s5+$0x0], $0xffff;
	v12 =	vshll.u32 v15, $0x8;
	v24 =	vor.u32 v0, v13  }
0xf2: {  	v28 =	vor.u32 v0, v12;
	v16 =	vld.idx.msk [tilespmem:v16+s5+$0x0], $0xffff;
	[tilespmem:s29+$0x40] =	vst v21  }
0xf3: {  	v15 =	vshll.u32 v20, $0x8;
	v21 =	vor.u32 v5, v19;
	v20 =	vld.idx.msk [tilespmem:v22+s5+$0x0], $0xffff  }
0xf4: {  	v22 =	vor.u32 v0, v15;
	v25 =	vld.idx.msk [tilespmem:v25+s5+$0x0], $0xffff;
	[tilespmem:s28+$0x40] =	vst v26  }
0xf5: {  	v26 =	vor.u32 v5, v10;
	v27 =	vld.idx.msk [tilespmem:v27+s5+$0x0], $0xffff  }
0xf6: {  	s8 =	sadd.s32 $0x400, s11;
	v29 =	vor.u32 v6, v18;
	v24 =	vld.idx.msk [tilespmem:v24+s5+$0x0], $0xffff  }
0xf7: {  	s18 =	simm.s32 $0x200;
	s16 =	sand.u32 $0x1F800, s8;
	[tilespmem:s30+$0x40] =	vst v16;
	v16 =	vld.idx.msk [tilespmem:v28+s5+$0x0], $0xffff;
	v28 =	vor.u32 v6, v17  }
0xf8: {  	s1 =	sand.u32 $0x200, s18;
	s10 =	sadd.s32 $0xD600, s16;
	[tilespmem:s7+$0x40] =	vst v23;
	v23 =	vor.u32 v1, v13;
	v21 =	vld.idx.msk [tilespmem:v21+s5+$0x0], $0xffff  }
0xf9: {  	s20 =	simm.s32 $0x280;
	s1 =	sadd.s32 s1, s10;
	[tilespmem:s29+$0x50] =	vst v20;
	v20 =	vor.u32 v1, v14;
	v22 =	vld.idx.msk [tilespmem:v22+s5+$0x0], $0xffff  }
0xfa: {  	s0 =	sand.u32 $0x280, s20;
	s9 =	simm.s32 $0x380;
	[tilespmem:s1+$0x0] =	vst v25;
	v25 =	vld.idx.msk [tilespmem:v26+s5+$0x0], $0xffff;
	v26 =	vor.u32 v6, v19  }
0xfb: {  	s3 =	sadd.s32 s0, s10;
	s23 =	sand.u32 $0x380, s9;
	v30 =	vor.u32 v1, v15;
	v29 =	vld.idx.msk [tilespmem:v29+s5+$0x0], $0xffff;
	[tilespmem:s28+$0x50] =	vst v27  }
0xfc: {  	s12 =	simm.s32 $0x300;
	s0 =	sadd.s32 s23, s10;
	[tilespmem:s3+$0x0] =	vst v24;
	v24 =	vor.u32 v6, v10;
	v27 =	vld.idx.msk [tilespmem:v28+s5+$0x0], $0xffff  }
0xfd: {  	s12 =	sand.u32 $0x300, s12;
	v23 =	vld.idx.msk [tilespmem:v23+s5+$0x0], $0xffff;
	[tilespmem:s0+$0x0] =	vst v16;
	v16 =	vor.u32 v1, v12  }
0xfe: {  	s10 =	sadd.s32 s12, s10;
	[tilespmem:s30+$0x50] =	vst v21;
	v21 =	vor.u32 v7, v17;
	v20 =	vld.idx.msk [tilespmem:v20+s5+$0x0], $0xffff  }
0xff: {  	v28 =	vor.u32 v2, v13;
	[tilespmem:s10+$0x0] =	vst v22;
	v22 =	vld.idx.msk [tilespmem:v26+s5+$0x0], $0xffff  }
0x100: {  	[tilespmem:s7+$0x50] =	vst v25;
	v25 =	vor.u32 v7, v18;
	v26 =	vld.idx.msk [tilespmem:v30+s5+$0x0], $0xffff  }
0x101: {  	[tilespmem:s29+$0x60] =	vst v29;
	v29 =	vor.u32 v7, v19;
	v24 =	vld.idx.msk [tilespmem:v24+s5+$0x0], $0xffff  }
0x102: {  	v30 =	vor.u32 v2, v15;
	v16 =	vld.idx.msk [tilespmem:v16+s5+$0x0], $0xffff;
	[tilespmem:s28+$0x60] =	vst v27  }
0x103: {  	v27 =	vor.u32 v2, v14;
	[tilespmem:s3+$0x10] =	vst v23;
	v21 =	vld.idx.msk [tilespmem:v21+s5+$0x0], $0xffff  }
0x104: {  	v23 =	vor.u32 v2, v12;
	[tilespmem:s1+$0x10] =	vst v20;
	v20 =	vld.idx.msk [tilespmem:v28+s5+$0x0], $0xffff  }
0x105: {  	v28 =	vor.u32 v7, v10;
	v25 =	vld.idx.msk [tilespmem:v25+s5+$0x0], $0xffff;
	[tilespmem:s30+$0x60] =	vst v22  }
0x106: {  	v22 =	vor.u32 v3, v13;
	[tilespmem:s10+$0x10] =	vst v26;
	v26 =	vld.idx.msk [tilespmem:v29+s5+$0x0], $0xffff  }
0x107: {  	v29 =	vld.idx.msk [tilespmem:v30+s5+$0x0], $0xffff;
	[tilespmem:s7+$0x60] =	vst v24;
	v24 =	vor.u32 v8, v18  }
0x108: {  	v27 =	vld.idx.msk [tilespmem:v27+s5+$0x0], $0xffff;
	[tilespmem:s0+$0x10] =	vst v16;
	v16 =	vor.u32 v8, v19  }
0x109: {  	v30 =	vor.u32 v3, v15;
	v23 =	vld.idx.msk [tilespmem:v23+s5+$0x0], $0xffff;
	[tilespmem:s28+$0x70] =	vst v21  }
0x10a: {  	v31 =	vor.u32 v3, v14;
	[tilespmem:s3+$0x20] =	vst v20;
	v20 =	vld.idx.msk [tilespmem:v28+s5+$0x0], $0xffff  }
0x10b: {  	[tilespmem:s29+$0x70] =	vst v25;
	v28 =	vld.idx.msk [tilespmem:v22+s5+$0x0], $0xffff;
	v22 =	vor.u32 v3, v12  }
0x10c: {  	v32 =	vor.u32 v8, v10;
	[tilespmem:s30+$0x70] =	vst v26;
	v33 =	vld.idx.msk [tilespmem:v24+s5+$0x0], $0xffff  }
0x10d: {  	v34 =	vor.u32 v4, v13;
	[tilespmem:s10+$0x20] =	vst v29;
	v21 =	vld.idx.msk [tilespmem:v16+s5+$0x0], $0xffff  }
0x10e: {  	p1 =	por $0x0, $0x0;
	[tilespmem:s1+$0x20] =	vst v27;
	v24 =	vld.idx.msk [tilespmem:v30+s5+$0x0], $0xffff  }
0x10f: {  	p0 =	por !p1, !p1;
	s12 =	simm.s32 $0x1;
	s13 =	simm.s32 $0x1;
	v25 =	vld.idx.msk [tilespmem:v31+s5+$0x0], $0xffff;
	[tilespmem:s0+$0x20] =	vst v23;
	v23 =	vor.u32 v9, v18  }
0x110: {  	s12 =	simm.s32 @!p1 $0x0;
	s13 =	simm.s32 @!p0 $0x0;
	v16 =	vor.u32 v4, v15;
	[tilespmem:s7+$0x70] =	vst v20;
	v26 =	vld.idx.msk [tilespmem:v22+s5+$0x0], $0xffff;
	v22 =	vor.u32 v9, v19  }
0x111: {  	s31 =	sshll.u32 s12, $0x9;
	s13 =	sshll.u32 s13, $0x9;
	v18 =	vor.u32 v9, v17;
	v20 =	vor.u32 v8, v17;
	[tilespmem:s3+$0x30] =	vst v28;
	v19 =	vld.idx.msk [tilespmem:v32+s5+$0x0], $0xffff  }
0x112: {  	s12 =	sadd.s32 s31, s11;
	s11 =	sadd.s32 s13, s8;
	s7 =	simm.s32 $0x8;
	v17 =	vor.u32 v4, v14;
	v28 =	vor.u32 v4, v12;
	v27 =	vld.idx.msk [tilespmem:v34+s5+$0x0], $0xffff;
	[tilespmem:s29+$0x400] =	vst v33  }
.LBB2_9:
0x113: {  	s16 =	sadd.s32 $0x1, s7  }
0x114: {  	v29 =	vmov s7;
	s23 =	sadd.s32 $0x3, s7;
	v30 =	vor.u32 v5, v13;
	v31 =	vor.u32 v9, v10;
	v23 =	vld.idx.msk [tilespmem:v23+s5+$0x0], $0xffff;
	[tilespmem:s30+$0x400] =	vst v21;
	v10 =	vmovc v14;
	s31 =	smov.u32 s7;
	s13 =	sadd.s32 $0x4, s7  }
0x115: {  	p1 =	slt.u32 s7, $0xC;
	v14 =	vperm.xlane v11, v29;
	v21 =	vmov s16;
	s16 =	sadd.s32 $0x2, s31;
	v29 =	vmov s23;
	[tilespmem:s10+$0x30] =	vst v24;
	v22 =	vld.idx.msk [tilespmem:v22+s5+$0x0], $0xffff  }
0x116: {  	v21 =	vperm.xlane v11, v21;
	v24 =	vmov s16;
	v29 =	vperm.xlane v11, v29;
	[tilespmem:s1+$0x30] =	vst v25;
	v25 =	vld.idx.msk [tilespmem:v20+s5+$0x0], $0xffff  }
0x117: {  	s7 =	sor.u32 $0x400, s12;
	v14 =	vshll.u32 v14, $0x8;
	v24 =	vperm.xlane v11, v24;
	v32 =	vld.idx.msk [tilespmem:v17+s5+$0x0], $0xffff;
	[tilespmem:s0+$0x30] =	vst v26;
	v26 =	vor.u32 v5, v12  }
0x118: {  	v33 =	vor.u32 v0, v14;
	v20 =	vshll.u32 v21, $0x8;
	v17 =	vshll.u32 v29, $0x8;
	v21 =	vld.idx.msk [tilespmem:v28+s5+$0x0], $0xffff;
	[tilespmem:s7+$0xD600] =	vst v19  }
0x119: {  	v28 =	vor.u32 v0, v20;
	v19 =	vshll.u32 v24, $0x8;
	v24 =	vor.u32 v0, v17;
	[tilespmem:s3+$0x40] =	vst v27;
	v27 =	vld.idx.msk [tilespmem:v16+s5+$0x0], $0xffff  }
0x11a: {  	v29 =	vor.u32 v0, v19;
	v16 =	vor.u32 v4, v19;
	v30 =	vld.idx.msk [tilespmem:v30+s5+$0x0], $0xffff;
	[tilespmem:s29+$0x40E] =	vst v23;
	s29 =	smov.u32 s3  }
0x11b: {  	v23 =	vld.idx.msk [tilespmem:v31+s5+$0x0], $0xffff;
	[tilespmem:s30+$0x40E] =	vst v22;
	s30 =	smov.u32 s10  }
0x11c: {  	[tilespmem:s28+$0x400] =	vst v25  }
0x11d: {  	p0 =	por !p0, !p0;
	s3 =	simm.s32 $0x1;
	v22 =	vor.u32 v5, v15;
	[tilespmem:s1+$0x40] =	vst v32;
	v18 =	vld.idx.msk [tilespmem:v18+s5+$0x0], $0xffff  }
0x11e: {  	s3 =	simm.s32 @!p0 $0x0;
	v25 =	vld.idx.msk [tilespmem:v33+s5+$0x0], $0xffff;
	[tilespmem:s0+$0x40] =	vst v21  }
0x11f: {  	s9 =	sadd.s32 $0x200, s9;
	s8 =	sadd.s32 $0x400, s8;
	s3 =	sshll.u32 s3, $0x9;
	v21 =	vor.u32 v5, v10;
	[tilespmem:s30+$0x40] =	vst v27;
	v26 =	vld.idx.msk [tilespmem:v26+s5+$0x0], $0xffff  }
0x120: {  	s7 =	sor.u32 $0x40E, s12;
	s12 =	smov.u32 s11;
	s11 =	sadd.s32 s3, s8;
	v27 =	vld.idx.msk [tilespmem:v28+s5+$0x0], $0xffff;
	[tilespmem:s29+$0x50] =	vst v30;
	v28 =	vor.u32 v6, v13  }
0x121: {  	s10 =	sadd.s32 $0xFFFFFE80, s9;
	s3 =	sand.u32 $0x1F800, s8;
	v30 =	vor.u32 v6, v12;
	v24 =	vld.idx.msk [tilespmem:v24+s5+$0x0], $0xffff;
	[tilespmem:s7+$0xD600] =	vst v23  }
0x122: {  	s7 =	sand.u32 $0x200, s10;
	s10 =	sadd.s32 $0xD600, s3;
	v23 =	vor.u32 v1, v20;
	v22 =	vld.idx.msk [tilespmem:v22+s5+$0x0], $0xffff  }
0x123: {  	v31 =	vor.u32 v1, v14;
	s3 =	sadd.s32 $0xFFFFFF00, s9;
	s7 =	sadd.s32 s7, s10;
	v29 =	vld.idx.msk [tilespmem:v29+s5+$0x0], $0xffff;
	[tilespmem:s28+$0x40E] =	vst v18;
	s28 =	smov.u32 s0  }
0x124: {  	s0 =	sand.u32 $0x280, s3;
	[tilespmem:s7+$0x0] =	vst v25;
	v18 =	vld.idx.msk [tilespmem:v21+s5+$0x0], $0xffff;
	v21 =	vor.u32 v6, v15  }
0x125: {  	s3 =	sadd.s32 s0, s10;
	v25 =	vor.u32 v1, v19;
	s0 =	sand.u32 $0x380, s9;
	v28 =	vld.idx.msk [tilespmem:v28+s5+$0x0], $0xffff;
	[tilespmem:s28+$0x50] =	vst v26  }
0x126: {  	s16 =	sadd.s32 $0xFFFFFF80, s9;
	s0 =	sadd.s32 s0, s10;
	v26 =	vor.u32 v6, v10;
	[tilespmem:s3+$0x0] =	vst v27;
	v27 =	vld.idx.msk [tilespmem:v30+s5+$0x0], $0xffff  }
0x127: {  	s16 =	sand.u32 $0x300, s16;
	v23 =	vld.idx.msk [tilespmem:v23+s5+$0x0], $0xffff;
	[tilespmem:s0+$0x0] =	vst v24;
	v24 =	vor.u32 v1, v17  }
0x128: {  	s10 =	sadd.s32 s16, s10;
	v30 =	vld.idx.msk [tilespmem:v31+s5+$0x0], $0xffff;
	[tilespmem:s30+$0x50] =	vst v22;
	v22 =	vor.u32 v7, v12  }
0x129: {  	v31 =	vor.u32 v2, v20;
	[tilespmem:s10+$0x0] =	vst v29;
	v21 =	vld.idx.msk [tilespmem:v21+s5+$0x0], $0xffff  }
0x12a: {  	v25 =	vld.idx.msk [tilespmem:v25+s5+$0x0], $0xffff;
	[tilespmem:s1+$0x50] =	vst v18;
	v18 =	vor.u32 v7, v13  }
0x12b: {  	v26 =	vld.idx.msk [tilespmem:v26+s5+$0x0], $0xffff;
	[tilespmem:s29+$0x60] =	vst v28;
	v28 =	vor.u32 v7, v15  }
0x12c: {  	v29 =	vor.u32 v2, v19;
	v24 =	vld.idx.msk [tilespmem:v24+s5+$0x0], $0xffff;
	[tilespmem:s28+$0x60] =	vst v27  }
0x12d: {  	v27 =	vor.u32 v2, v14;
	[tilespmem:s3+$0x10] =	vst v23;
	v22 =	vld.idx.msk [tilespmem:v22+s5+$0x0], $0xffff  }
0x12e: {  	[tilespmem:s7+$0x10] =	vst v30;
	v23 =	vld.idx.msk [tilespmem:v31+s5+$0x0], $0xffff;
	v30 =	vor.u32 v2, v17  }
0x12f: {  	v31 =	vor.u32 v7, v10;
	v18 =	vld.idx.msk [tilespmem:v18+s5+$0x0], $0xffff;
	[tilespmem:s30+$0x60] =	vst v21  }
0x130: {  	v21 =	vor.u32 v3, v20;
	[tilespmem:s10+$0x10] =	vst v25;
	v25 =	vld.idx.msk [tilespmem:v28+s5+$0x0], $0xffff  }
0x131: {  	v28 =	vld.idx.msk [tilespmem:v29+s5+$0x0], $0xffff;
	[tilespmem:s1+$0x60] =	vst v26;
	v26 =	vor.u32 v8, v13  }
0x132: {  	v27 =	vld.idx.msk [tilespmem:v27+s5+$0x0], $0xffff;
	[tilespmem:s0+$0x10] =	vst v24;
	v24 =	vor.u32 v8, v15  }
0x133: {  	v29 =	vor.u32 v3, v19;
	v30 =	vld.idx.msk [tilespmem:v30+s5+$0x0], $0xffff;
	[tilespmem:s28+$0x70] =	vst v22  }
0x134: {  	v22 =	vor.u32 v3, v14;
	[tilespmem:s3+$0x20] =	vst v23;
	v31 =	vld.idx.msk [tilespmem:v31+s5+$0x0], $0xffff  }
0x135: {  	v33 =	vor.u32 v3, v17;
	v32 =	vld.idx.msk [tilespmem:v21+s5+$0x0], $0xffff;
	[tilespmem:s29+$0x70] =	vst v18  }
0x136: {  	v34 =	vor.u32 v8, v10;
	v35 =	vld.idx.msk [tilespmem:v26+s5+$0x0], $0xffff;
	[tilespmem:s30+$0x70] =	vst v25  }
0x137: {  	v36 =	vor.u32 v4, v20;
	[tilespmem:s10+$0x20] =	vst v28;
	v21 =	vld.idx.msk [tilespmem:v24+s5+$0x0], $0xffff  }
.Ltmp3:
0x138: {  	v23 =	vor.u32 v9, v13;
	v13 =	vmov v20;
	v18 =	vor.u32 v9, v12;
	[tilespmem:s7+$0x20] =	vst v27;
	v24 =	vld.idx.msk [tilespmem:v29+s5+$0x0], $0xffff;
	(pc) =	sbr.rel @p1 .LBB2_9-.Ltmp3, $4  }
0x139: {  	v20 =	vor.u32 v8, v12;
	v12 =	vmov v17;
	v25 =	vld.idx.msk [tilespmem:v22+s5+$0x0], $0xffff;
	[tilespmem:s0+$0x20] =	vst v30;
	v22 =	vor.u32 v9, v15  }
0x13a: {  	v15 =	vmov v19;
	v26 =	vld.idx.msk [tilespmem:v33+s5+$0x0], $0xffff;
	[tilespmem:s1+$0x70] =	vst v31;
	s1 =	smov.u32 s7  }
0x13b: {  	v17 =	vor.u32 v4, v14;
	[tilespmem:s3+$0x30] =	vst v32;
	v19 =	vld.idx.msk [tilespmem:v34+s5+$0x0], $0xffff  }
0x13c: {  	v28 =	vor.u32 v4, v12;
	s7 =	smov.u32 s13;
	v27 =	vld.idx.msk [tilespmem:v36+s5+$0x0], $0xffff;
	[tilespmem:s29+$0x400] =	vst v35  }
0x13d: {  	_ =	sdelay $0x2  }
0x13e: {  	[tilespmem:s10+$0x30] =	vst v24  }
0x13f: {  	v11 =	vor.u32 v5, v13;
	[tilespmem:s1+$0x30] =	vst v25;
	v16 =	vld.idx.msk [tilespmem:v16+s5+$0x0], $0xffff  }
0x140: {  	v36 =	vor.u32 v5, v15;
	v17 =	vld.idx.msk [tilespmem:v17+s5+$0x0], $0xffff;
	[tilespmem:s0+$0x30] =	vst v26  }
0x141: {  	v38 =	vor.u32 v5, v14;
	v37 =	vld.idx.msk [tilespmem:v28+s5+$0x0], $0xffff  }
0x142: {  	v39 =	vor.u32 v5, v12  }
0x143: {  	[tilespmem:s3+$0x40] =	vst v27  }
0x144: {  	v11 =	vld.idx.msk [tilespmem:v11+s5+$0x0], $0xffff;
	[tilespmem:s10+$0x40] =	vst v16  }
0x145: {  	v40 =	vor.u32 v6, v13;
	[tilespmem:s1+$0x40] =	vst v17;
	v41 =	vld.idx.msk [tilespmem:v36+s5+$0x0], $0xffff  }
0x146: {  	v43 =	vor.u32 v6, v15;
	[tilespmem:s0+$0x40] =	vst v37;
	v42 =	vld.idx.msk [tilespmem:v38+s5+$0x0], $0xffff  }
0x147: {  	v45 =	vor.u32 v6, v14;
	v44 =	vld.idx.msk [tilespmem:v39+s5+$0x0], $0xffff  }
0x148: {  	v46 =	vor.u32 v6, v12  }
0x149: {  	[tilespmem:s3+$0x50] =	vst v11  }
0x14a: {  	v11 =	vld.idx.msk [tilespmem:v40+s5+$0x0], $0xffff;
	[tilespmem:s10+$0x50] =	vst v41  }
0x14b: {  	v48 =	vor.u32 v7, v13;
	v47 =	vld.idx.msk [tilespmem:v43+s5+$0x0], $0xffff;
	[tilespmem:s1+$0x50] =	vst v42  }
0x14c: {  	v49 =	vor.u32 v7, v15;
	[tilespmem:s0+$0x50] =	vst v44;
	v24 =	vld.idx.msk [tilespmem:v45+s5+$0x0], $0xffff  }
0x14d: {  	v50 =	vor.u32 v7, v14;
	v26 =	vld.idx.msk [tilespmem:v46+s5+$0x0], $0xffff  }
0x14e: {  	[tilespmem:s30+$0x400] =	vst v21;
	v51 =	vor.u32 v7, v12  }
0x14f: {  	v23 =	vld.idx.msk [tilespmem:v23+s5+$0x0], $0xffff;
	[tilespmem:s3+$0x60] =	vst v11  }
0x150: {  	v11 =	vld.idx.msk [tilespmem:v48+s5+$0x0], $0xffff;
	[tilespmem:s10+$0x60] =	vst v47  }
0x151: {  	v52 =	vor.u32 v8, v13;
	v16 =	vld.idx.msk [tilespmem:v49+s5+$0x0], $0xffff;
	[tilespmem:s1+$0x60] =	vst v24  }
0x152: {  	s7 =	sor.u32 $0x400, s12;
	v53 =	vor.u32 v8, v15;
	[tilespmem:s0+$0x60] =	vst v26;
	v54 =	vld.idx.msk [tilespmem:v50+s5+$0x0], $0xffff  }
0x153: {  	v56 =	vor.u32 v8, v14;
	[tilespmem:s7+$0xD600] =	vst v19;
	v55 =	vld.idx.msk [tilespmem:v51+s5+$0x0], $0xffff  }
0x154: {  	v57 =	vor.u32 v8, v12;
	v20 =	vld.idx.msk [tilespmem:v20+s5+$0x0], $0xffff;
	[tilespmem:s29+$0x40E] =	vst v23  }
0x155: {  	v10 =	vor.u32 v9, v10;
	v22 =	vld.idx.msk [tilespmem:v22+s5+$0x0], $0xffff;
	[tilespmem:s3+$0x70] =	vst v11  }
0x156: {  	v11 =	vld.idx.msk [tilespmem:v52+s5+$0x0], $0xffff;
	[tilespmem:s10+$0x70] =	vst v16  }
0x157: {  	v58 =	vor.u32 v9, v13;
	v16 =	vld.idx.msk [tilespmem:v53+s5+$0x0], $0xffff;
	[tilespmem:s1+$0x70] =	vst v54  }
0x158: {  	v59 =	vor.u32 v9, v15;
	[tilespmem:s0+$0x70] =	vst v55;
	v60 =	vld.idx.msk [tilespmem:v56+s5+$0x0], $0xffff  }
0x159: {  	v61 =	vor.u32 v9, v14;
	[tilespmem:s28+$0x400] =	vst v20;
	v19 =	vld.idx.msk [tilespmem:v57+s5+$0x0], $0xffff  }
0x15a: {  	v62 =	vor.u32 v9, v12;
	v10 =	vld.idx.msk [tilespmem:v10+s5+$0x0], $0xffff;
	[tilespmem:s30+$0x40E] =	vst v22  }
0x15b: {  	v18 =	vld.idx.msk [tilespmem:v18+s5+$0x0], $0xffff;
	[tilespmem:s3+$0x400] =	vst v11  }
0x15c: {  	s29 =	sor.u32 $0x400, s11;
	v11 =	vld.idx.msk [tilespmem:v58+s5+$0x0], $0xffff;
	[tilespmem:s10+$0x400] =	vst v16  }
0x15d: {  	v63 =	vld.idx.msk [tilespmem:v59+s5+$0x0], $0xffff;
	[tilespmem:s29+$0xD600] =	vst v60  }
0x15e: {  	s26 =	sadd.s32 $0x1, s26;
	s30 =	sor.u32 $0x40E, s12;
	v14 =	vld.idx.msk [tilespmem:v61+s5+$0x0], $0xffff;
	[tilespmem:s0+$0x400] =	vst v19  }
0x15f: {  	p0 =	sne.s32 s26, $0xD;
	[tilespmem:s30+$0xD600] =	vst v10;
	v10 =	vld.idx.msk [tilespmem:v62+s5+$0x0], $0xffff  }
.Ltmp4:
0x160: {  	[tilespmem:s28+$0x40E] =	vst v18;
	(pc) =	sbr.rel @p0 .LBB2_8-.Ltmp4, $4  }
0x161: {  	[tilespmem:s3+$0x40E] =	vst v11  }
0x162: {  	s31 =	sor.u32 $0x40E, s11;
	[tilespmem:s10+$0x40E] =	vst v63  }
0x163: {  	[tilespmem:s31+$0xD600] =	vst v14  }
0x164: {  	s25 =	sadd.s32 $0x10, s25;
	[tilespmem:s0+$0x40E] =	vst v10  }
0x165: {  	s0 =	rddreg [dreg:$0x7];
	s1 =	simm.s32 $0xD600  }
0x166: {  	[hbm4b:s0+s5] =	stream.linear.scatter [tilespmem:s1], [sflag:$0x5], $0xC800, $0x38;
	[tilespmem:$0x19E00] =	vst v63  }
0x167: {  	s31 =	rddreg [dreg:$0x8];
	s24 =	simm.s32 $0x1  }
0x168: {  	[tilespmem:s15], [sflag:$0x3] =	stream.linear.gather [hbm4b:s31+s5], $0xC8, $0x38;
	[tilespmem:$0x19E00] =	vst v63  }
.LBB2_12:
0x169: {  	_ =	swait.ge [sflag:s21], $0xC800  }
0x16a: {  	[sflag:s21] =	ssyncset.done $0x0  }
0x16b: {  	[sflag:s21] =	ssyncadd.s32 $0xFFFF3800  }
0x16c: {  	_ =	swait.ge [sflag:s17], $0xC8  }
0x16d: {  	s25 =	simm.s32 $0x0;
	[sflag:s17] =	ssyncset.done $0x0  }
0x16e: {  	s26 =	simm.s32 $0x0;
	s28 =	simm.s32 $0x0;
	[sflag:s17] =	ssyncadd.s32 $0xFFFFFF38  }
.LBB2_13:
0x16f: {  	s0 =	sshll.u32 s28, $0x4  }
0x170: {  	s0 =	smin.u32 s0, $0xB8  }
0x171: {  	v11 =	vld [tilespmem:s0+$0xC00];
	_ =	sdelay $0x2  }
0x172: {  	s10 =	simm.s32 $0x1  }
0x173: {  	v10 =	vmov s10  }
0x174: {  	s11 =	simm.s32 $0x3;
	v10 =	vperm.xlane v11, v10  }
0x175: {  	v12 =	vmov s11  }
0x176: {  	v12 =	vperm.xlane v11, v12;
	v18 =	vshll.u32 v10, $0x8  }
0x177: {  	s12 =	simm.s32 $0x2;
	v10 =	vmov s25;
	v13 =	vor.u32 v0, v18  }
0x178: {  	v14 =	vmov s12;
	v17 =	vshll.u32 v12, $0x8;
	v10 =	vperm.xlane v11, v10  }
0x179: {  	v12 =	vperm.xlane v11, v14;
	v14 =	vor.u32 v0, v17  }
0x17a: {  	v10 =	vshll.u32 v10, $0x8  }
0x17b: {  	v19 =	vshll.u32 v12, $0x8;
	v15 =	vor.u32 v0, v10  }
0x17c: {  	s13 =	smin.u32 s26, $0xB8;
	v12 =	vor.u32 v0, v19;
	v13 =	vld.idx.msk [tilespmem:v13+s5+$0x0], $0xffff  }
0x17d: {  	s11 =	sshll.u32 s13, $0x8;
	v16 =	vor.u32 v1, v18  }
0x17e: {  	s1 =	simm.s32 $0x80;
	s0 =	sand.u32 $0x1F800, s11;
	v14 =	vld.idx.msk [tilespmem:v14+s5+$0x0], $0xffff  }
0x17f: {  	s1 =	sand.u32 $0x280, s1;
	s0 =	sadd.s32 $0xE00, s0;
	v20 =	vor.u32 v1, v17  }
0x180: {  	s3 =	simm.s32 $0x180;
	s30 =	sadd.s32 s1, s0;
	v15 =	vld.idx.msk [tilespmem:v15+s5+$0x0], $0xffff  }
0x181: {  	s16 =	sand.u32 $0x380, s3;
	v21 =	vor.u32 v1, v10;
	v12 =	vld.idx.msk [tilespmem:v12+s5+$0x0], $0xffff;
	[tilespmem:s30+$0x0] =	vst v13  }
0x182: {  	s18 =	simm.s32 $0x0;
	s29 =	sadd.s32 s16, s0;
	v13 =	vor.u32 v1, v19;
	v16 =	vld.idx.msk [tilespmem:v16+s5+$0x0], $0xffff  }
0x183: {  	s23 =	simm.s32 $0x100;
	s20 =	sand.u32 $0x200, s18;
	[tilespmem:s29+$0x0] =	vst v14;
	v14 =	vor.u32 v2, v18  }
0x184: {  	s3 =	sand.u32 $0x300, s23;
	s7 =	sadd.s32 s20, s0;
	v20 =	vld.idx.msk [tilespmem:v20+s5+$0x0], $0xffff  }
0x185: {  	s31 =	sadd.s32 s3, s0;
	[tilespmem:s7+$0x0] =	vst v15;
	v15 =	vor.u32 v2, v17  }
0x186: {  	[tilespmem:s31+$0x0] =	vst v12;
	v21 =	vld.idx.msk [tilespmem:v21+s5+$0x0], $0xffff  }
0x187: {  	v12 =	vld.idx.msk [tilespmem:v13+s5+$0x0], $0xffff;
	v13 =	vor.u32 v2, v10;
	[tilespmem:s30+$0x10] =	vst v16  }
0x188: {  	v16 =	vor.u32 v2, v19;
	v14 =	vld.idx.msk [tilespmem:v14+s5+$0x0], $0xffff  }
0x189: {  	v22 =	vor.u32 v3, v18;
	[tilespmem:s29+$0x10] =	vst v20  }
0x18a: {  	v15 =	vld.idx.msk [tilespmem:v15+s5+$0x0], $0xffff  }
0x18b: {  	v20 =	vor.u32 v3, v17;
	[tilespmem:s7+$0x10] =	vst v21  }
0x18c: {  	[tilespmem:s31+$0x10] =	vst v12;
	v12 =	vld.idx.msk [tilespmem:v13+s5+$0x0], $0xffff  }
0x18d: {  	v13 =	vld.idx.msk [tilespmem:v16+s5+$0x0], $0xffff;
	v16 =	vor.u32 v3, v10;
	[tilespmem:s30+$0x20] =	vst v14  }
0x18e: {  	v14 =	vor.u32 v3, v19;
	v21 =	vld.idx.msk [tilespmem:v22+s5+$0x0], $0xffff  }
0x18f: {  	v22 =	vor.u32 v4, v18;
	[tilespmem:s29+$0x20] =	vst v15  }
0x190: {  	v15 =	vld.idx.msk [tilespmem:v20+s5+$0x0], $0xffff  }
0x191: {  	s8 =	simm.s32 $0x4;
	[tilespmem:s7+$0x20] =	vst v12;
	v12 =	vor.u32 v4, v17  }
0x192: {  	[tilespmem:s31+$0x20] =	vst v13;
	v13 =	vld.idx.msk [tilespmem:v16+s5+$0x0], $0xffff;
	v16 =	vmov s8  }
0x193: {  	s9 =	simm.s32 $0x5;
	s10 =	simm.s32 $0x7;
	v23 =	vor.u32 v4, v10;
	v20 =	vld.idx.msk [tilespmem:v14+s5+$0x0], $0xffff;
	v14 =	vperm.xlane v11, v16;
	[tilespmem:s30+$0x30] =	vst v21  }
0x194: {  	v24 =	vmov s9;
	v25 =	vmov s10;
	v16 =	vor.u32 v4, v19;
	v21 =	vld.idx.msk [tilespmem:v22+s5+$0x0], $0xffff  }
0x195: {  	v24 =	vperm.xlane v11, v24;
	v22 =	vor.u32 v5, v18;
	v14 =	vshll.u32 v14, $0x8;
	[tilespmem:s29+$0x30] =	vst v15  }
0x196: {  	s12 =	simm.s32 $0x6;
	v15 =	vperm.xlane v11, v25;
	v25 =	vor.u32 v0, v14;
	v26 =	vld.idx.msk [tilespmem:v12+s5+$0x0], $0xffff  }
0x197: {  	v27 =	vor.u32 v5, v17;
	v12 =	vmov s12;
	[tilespmem:s7+$0x30] =	vst v13;
	v13 =	vshll.u32 v24, $0x8  }
0x198: {  	[tilespmem:s31+$0x30] =	vst v20;
	v20 =	vperm.xlane v11, v12;
	v23 =	vld.idx.msk [tilespmem:v23+s5+$0x0], $0xffff;
	v12 =	vshll.u32 v15, $0x8;
	v24 =	vor.u32 v0, v13  }
0x199: {  	v28 =	vor.u32 v0, v12;
	v16 =	vld.idx.msk [tilespmem:v16+s5+$0x0], $0xffff;
	[tilespmem:s30+$0x40] =	vst v21  }
0x19a: {  	v15 =	vshll.u32 v20, $0x8;
	v21 =	vor.u32 v5, v19;
	v20 =	vld.idx.msk [tilespmem:v22+s5+$0x0], $0xffff  }
0x19b: {  	v22 =	vor.u32 v0, v15;
	v25 =	vld.idx.msk [tilespmem:v25+s5+$0x0], $0xffff;
	[tilespmem:s29+$0x40] =	vst v26  }
0x19c: {  	v26 =	vor.u32 v5, v10;
	v27 =	vld.idx.msk [tilespmem:v27+s5+$0x0], $0xffff  }
0x19d: {  	v29 =	vor.u32 v6, v18;
	s8 =	sadd.s32 $0x400, s11;
	v24 =	vld.idx.msk [tilespmem:v24+s5+$0x0], $0xffff  }
0x19e: {  	s16 =	simm.s32 $0x200;
	s13 =	sand.u32 $0x1F800, s8;
	[tilespmem:s31+$0x40] =	vst v16;
	v16 =	vld.idx.msk [tilespmem:v28+s5+$0x0], $0xffff;
	v28 =	vor.u32 v6, v17  }
0x19f: {  	s1 =	sand.u32 $0x200, s16;
	s10 =	sadd.s32 $0xE00, s13;
	[tilespmem:s7+$0x40] =	vst v23;
	v23 =	vor.u32 v1, v13;
	v21 =	vld.idx.msk [tilespmem:v21+s5+$0x0], $0xffff  }
0x1a0: {  	s18 =	simm.s32 $0x280;
	s1 =	sadd.s32 s1, s10;
	[tilespmem:s30+$0x50] =	vst v20;
	v20 =	vor.u32 v1, v14;
	v22 =	vld.idx.msk [tilespmem:v22+s5+$0x0], $0xffff  }
0x1a1: {  	s9 =	simm.s32 $0x380;
	s0 =	sand.u32 $0x280, s18;
	[tilespmem:s1+$0x0] =	vst v25;
	v25 =	vld.idx.msk [tilespmem:v26+s5+$0x0], $0xffff;
	v26 =	vor.u32 v6, v19  }
0x1a2: {  	s20 =	sand.u32 $0x380, s9;
	s3 =	sadd.s32 s0, s10;
	v30 =	vor.u32 v1, v15;
	v29 =	vld.idx.msk [tilespmem:v29+s5+$0x0], $0xffff;
	[tilespmem:s29+$0x50] =	vst v27  }
0x1a3: {  	s0 =	sadd.s32 s20, s10;
	s12 =	simm.s32 $0x300;
	[tilespmem:s3+$0x0] =	vst v24;
	v24 =	vor.u32 v6, v10;
	v27 =	vld.idx.msk [tilespmem:v28+s5+$0x0], $0xffff  }
0x1a4: {  	s12 =	sand.u32 $0x300, s12;
	v23 =	vld.idx.msk [tilespmem:v23+s5+$0x0], $0xffff;
	[tilespmem:s0+$0x0] =	vst v16;
	v16 =	vor.u32 v1, v12  }
0x1a5: {  	s10 =	sadd.s32 s12, s10;
	[tilespmem:s31+$0x50] =	vst v21;
	v21 =	vor.u32 v7, v17;
	v20 =	vld.idx.msk [tilespmem:v20+s5+$0x0], $0xffff  }
0x1a6: {  	v28 =	vor.u32 v2, v13;
	[tilespmem:s10+$0x0] =	vst v22;
	v22 =	vld.idx.msk [tilespmem:v26+s5+$0x0], $0xffff  }
0x1a7: {  	[tilespmem:s7+$0x50] =	vst v25;
	v25 =	vor.u32 v7, v18;
	v26 =	vld.idx.msk [tilespmem:v30+s5+$0x0], $0xffff  }
0x1a8: {  	[tilespmem:s30+$0x60] =	vst v29;
	v29 =	vor.u32 v7, v19;
	v24 =	vld.idx.msk [tilespmem:v24+s5+$0x0], $0xffff  }
0x1a9: {  	v30 =	vor.u32 v2, v15;
	v16 =	vld.idx.msk [tilespmem:v16+s5+$0x0], $0xffff;
	[tilespmem:s29+$0x60] =	vst v27  }
0x1aa: {  	v27 =	vor.u32 v2, v14;
	[tilespmem:s3+$0x10] =	vst v23;
	v21 =	vld.idx.msk [tilespmem:v21+s5+$0x0], $0xffff  }
0x1ab: {  	v23 =	vor.u32 v2, v12;
	[tilespmem:s1+$0x10] =	vst v20;
	v20 =	vld.idx.msk [tilespmem:v28+s5+$0x0], $0xffff  }
0x1ac: {  	v28 =	vor.u32 v7, v10;
	v25 =	vld.idx.msk [tilespmem:v25+s5+$0x0], $0xffff;
	[tilespmem:s31+$0x60] =	vst v22  }
0x1ad: {  	v22 =	vor.u32 v3, v13;
	[tilespmem:s10+$0x10] =	vst v26;
	v26 =	vld.idx.msk [tilespmem:v29+s5+$0x0], $0xffff  }
0x1ae: {  	v29 =	vld.idx.msk [tilespmem:v30+s5+$0x0], $0xffff;
	[tilespmem:s7+$0x60] =	vst v24;
	v24 =	vor.u32 v8, v18  }
0x1af: {  	v27 =	vld.idx.msk [tilespmem:v27+s5+$0x0], $0xffff;
	[tilespmem:s0+$0x10] =	vst v16;
	v16 =	vor.u32 v8, v19  }
0x1b0: {  	v30 =	vor.u32 v3, v15;
	v23 =	vld.idx.msk [tilespmem:v23+s5+$0x0], $0xffff;
	[tilespmem:s29+$0x70] =	vst v21  }
0x1b1: {  	v31 =	vor.u32 v3, v14;
	[tilespmem:s3+$0x20] =	vst v20;
	v20 =	vld.idx.msk [tilespmem:v28+s5+$0x0], $0xffff  }
0x1b2: {  	[tilespmem:s30+$0x70] =	vst v25;
	v28 =	vld.idx.msk [tilespmem:v22+s5+$0x0], $0xffff;
	v22 =	vor.u32 v3, v12  }
0x1b3: {  	v32 =	vor.u32 v8, v10;
	[tilespmem:s31+$0x70] =	vst v26;
	v33 =	vld.idx.msk [tilespmem:v24+s5+$0x0], $0xffff  }
0x1b4: {  	v34 =	vor.u32 v4, v13;
	[tilespmem:s10+$0x20] =	vst v29;
	v21 =	vld.idx.msk [tilespmem:v16+s5+$0x0], $0xffff  }
0x1b5: {  	p1 =	por $0x0, $0x0;
	[tilespmem:s1+$0x20] =	vst v27;
	v24 =	vld.idx.msk [tilespmem:v30+s5+$0x0], $0xffff  }
0x1b6: {  	p0 =	por !p1, !p1;
	s13 =	simm.s32 $0x1;
	s12 =	simm.s32 $0x1;
	v25 =	vld.idx.msk [tilespmem:v31+s5+$0x0], $0xffff;
	[tilespmem:s0+$0x20] =	vst v23;
	v23 =	vor.u32 v9, v18  }
0x1b7: {  	s13 =	simm.s32 @!p0 $0x0;
	s12 =	simm.s32 @!p1 $0x0;
	v16 =	vor.u32 v4, v15;
	[tilespmem:s7+$0x70] =	vst v20;
	v26 =	vld.idx.msk [tilespmem:v22+s5+$0x0], $0xffff;
	v22 =	vor.u32 v9, v19  }
0x1b8: {  	s13 =	sshll.u32 s13, $0x9;
	s23 =	sshll.u32 s12, $0x9;
	v18 =	vor.u32 v9, v17;
	v20 =	vor.u32 v8, v17;
	[tilespmem:s3+$0x30] =	vst v28;
	v19 =	vld.idx.msk [tilespmem:v32+s5+$0x0], $0xffff  }
0x1b9: {  	s12 =	sadd.s32 s23, s11;
	s11 =	sadd.s32 s13, s8;
	s7 =	simm.s32 $0x8;
	v17 =	vor.u32 v4, v14;
	v28 =	vor.u32 v4, v12;
	v27 =	vld.idx.msk [tilespmem:v34+s5+$0x0], $0xffff;
	[tilespmem:s30+$0x400] =	vst v33  }
.LBB2_14:
0x1ba: {  	s16 =	sadd.s32 $0x1, s7  }
0x1bb: {  	v29 =	vmov s7;
	s23 =	sadd.s32 $0x3, s7;
	v30 =	vor.u32 v5, v13;
	v31 =	vor.u32 v9, v10;
	v23 =	vld.idx.msk [tilespmem:v23+s5+$0x0], $0xffff;
	[tilespmem:s31+$0x400] =	vst v21;
	v10 =	vmovc v14;
	s18 =	smov.u32 s7;
	s13 =	sadd.s32 $0x4, s7  }
0x1bc: {  	p1 =	slt.u32 s7, $0xC;
	v14 =	vperm.xlane v11, v29;
	v21 =	vmov s16;
	s16 =	sadd.s32 $0x2, s18;
	v29 =	vmov s23;
	[tilespmem:s10+$0x30] =	vst v24;
	v22 =	vld.idx.msk [tilespmem:v22+s5+$0x0], $0xffff  }
0x1bd: {  	v21 =	vperm.xlane v11, v21;
	v24 =	vmov s16;
	v29 =	vperm.xlane v11, v29;
	[tilespmem:s1+$0x30] =	vst v25;
	v25 =	vld.idx.msk [tilespmem:v20+s5+$0x0], $0xffff  }
0x1be: {  	s7 =	sor.u32 $0x400, s12;
	v14 =	vshll.u32 v14, $0x8;
	v24 =	vperm.xlane v11, v24;
	v32 =	vld.idx.msk [tilespmem:v17+s5+$0x0], $0xffff;
	[tilespmem:s0+$0x30] =	vst v26;
	v26 =	vor.u32 v5, v12  }
0x1bf: {  	v33 =	vor.u32 v0, v14;
	v20 =	vshll.u32 v21, $0x8;
	v17 =	vshll.u32 v29, $0x8;
	v21 =	vld.idx.msk [tilespmem:v28+s5+$0x0], $0xffff;
	[tilespmem:s7+$0xE00] =	vst v19  }
0x1c0: {  	v28 =	vor.u32 v0, v20;
	v19 =	vshll.u32 v24, $0x8;
	v24 =	vor.u32 v0, v17;
	[tilespmem:s3+$0x40] =	vst v27;
	v27 =	vld.idx.msk [tilespmem:v16+s5+$0x0], $0xffff  }
0x1c1: {  	v29 =	vor.u32 v0, v19;
	v16 =	vor.u32 v4, v19;
	v30 =	vld.idx.msk [tilespmem:v30+s5+$0x0], $0xffff;
	[tilespmem:s30+$0x40E] =	vst v23;
	s30 =	smov.u32 s3  }
0x1c2: {  	v23 =	vld.idx.msk [tilespmem:v31+s5+$0x0], $0xffff;
	[tilespmem:s31+$0x40E] =	vst v22;
	s31 =	smov.u32 s10  }
0x1c3: {  	[tilespmem:s29+$0x400] =	vst v25  }
0x1c4: {  	p0 =	por !p0, !p0;
	s3 =	simm.s32 $0x1;
	v22 =	vor.u32 v5, v15;
	[tilespmem:s1+$0x40] =	vst v32;
	v18 =	vld.idx.msk [tilespmem:v18+s5+$0x0], $0xffff  }
0x1c5: {  	s3 =	simm.s32 @!p0 $0x0;
	v25 =	vld.idx.msk [tilespmem:v33+s5+$0x0], $0xffff;
	[tilespmem:s0+$0x40] =	vst v21  }
0x1c6: {  	s9 =	sadd.s32 $0x200, s9;
	s8 =	sadd.s32 $0x400, s8;
	s3 =	sshll.u32 s3, $0x9;
	v21 =	vor.u32 v5, v10;
	[tilespmem:s31+$0x40] =	vst v27;
	v26 =	vld.idx.msk [tilespmem:v26+s5+$0x0], $0xffff  }
0x1c7: {  	s7 =	sor.u32 $0x40E, s12;
	s12 =	smov.u32 s11;
	s11 =	sadd.s32 s3, s8;
	v27 =	vld.idx.msk [tilespmem:v28+s5+$0x0], $0xffff;
	[tilespmem:s30+$0x50] =	vst v30;
	v28 =	vor.u32 v6, v13  }
0x1c8: {  	s10 =	sadd.s32 $0xFFFFFE80, s9;
	s3 =	sand.u32 $0x1F800, s8;
	v30 =	vor.u32 v6, v12;
	v24 =	vld.idx.msk [tilespmem:v24+s5+$0x0], $0xffff;
	[tilespmem:s7+$0xE00] =	vst v23  }
0x1c9: {  	s7 =	sand.u32 $0x200, s10;
	s10 =	sadd.s32 $0xE00, s3;
	v23 =	vor.u32 v1, v20;
	v22 =	vld.idx.msk [tilespmem:v22+s5+$0x0], $0xffff  }
0x1ca: {  	v31 =	vor.u32 v1, v14;
	s3 =	sadd.s32 $0xFFFFFF00, s9;
	s7 =	sadd.s32 s7, s10;
	v29 =	vld.idx.msk [tilespmem:v29+s5+$0x0], $0xffff;
	[tilespmem:s29+$0x40E] =	vst v18;
	s29 =	smov.u32 s0  }
0x1cb: {  	s0 =	sand.u32 $0x280, s3;
	[tilespmem:s7+$0x0] =	vst v25;
	v18 =	vld.idx.msk [tilespmem:v21+s5+$0x0], $0xffff;
	v21 =	vor.u32 v6, v15  }
0x1cc: {  	s3 =	sadd.s32 s0, s10;
	v25 =	vor.u32 v1, v19;
	s0 =	sand.u32 $0x380, s9;
	v28 =	vld.idx.msk [tilespmem:v28+s5+$0x0], $0xffff;
	[tilespmem:s29+$0x50] =	vst v26  }
0x1cd: {  	s16 =	sadd.s32 $0xFFFFFF80, s9;
	s0 =	sadd.s32 s0, s10;
	v26 =	vor.u32 v6, v10;
	[tilespmem:s3+$0x0] =	vst v27;
	v27 =	vld.idx.msk [tilespmem:v30+s5+$0x0], $0xffff  }
0x1ce: {  	s16 =	sand.u32 $0x300, s16;
	v23 =	vld.idx.msk [tilespmem:v23+s5+$0x0], $0xffff;
	[tilespmem:s0+$0x0] =	vst v24;
	v24 =	vor.u32 v1, v17  }
0x1cf: {  	s10 =	sadd.s32 s16, s10;
	v30 =	vld.idx.msk [tilespmem:v31+s5+$0x0], $0xffff;
	[tilespmem:s31+$0x50] =	vst v22;
	v22 =	vor.u32 v7, v12  }
0x1d0: {  	v31 =	vor.u32 v2, v20;
	[tilespmem:s10+$0x0] =	vst v29;
	v21 =	vld.idx.msk [tilespmem:v21+s5+$0x0], $0xffff  }
0x1d1: {  	v25 =	vld.idx.msk [tilespmem:v25+s5+$0x0], $0xffff;
	[tilespmem:s1+$0x50] =	vst v18;
	v18 =	vor.u32 v7, v13  }
0x1d2: {  	v26 =	vld.idx.msk [tilespmem:v26+s5+$0x0], $0xffff;
	[tilespmem:s30+$0x60] =	vst v28;
	v28 =	vor.u32 v7, v15  }
0x1d3: {  	v29 =	vor.u32 v2, v19;
	v24 =	vld.idx.msk [tilespmem:v24+s5+$0x0], $0xffff;
	[tilespmem:s29+$0x60] =	vst v27  }
0x1d4: {  	v27 =	vor.u32 v2, v14;
	[tilespmem:s3+$0x10] =	vst v23;
	v22 =	vld.idx.msk [tilespmem:v22+s5+$0x0], $0xffff  }
0x1d5: {  	[tilespmem:s7+$0x10] =	vst v30;
	v23 =	vld.idx.msk [tilespmem:v31+s5+$0x0], $0xffff;
	v30 =	vor.u32 v2, v17  }
0x1d6: {  	v31 =	vor.u32 v7, v10;
	v18 =	vld.idx.msk [tilespmem:v18+s5+$0x0], $0xffff;
	[tilespmem:s31+$0x60] =	vst v21  }
0x1d7: {  	v21 =	vor.u32 v3, v20;
	[tilespmem:s10+$0x10] =	vst v25;
	v25 =	vld.idx.msk [tilespmem:v28+s5+$0x0], $0xffff  }
0x1d8: {  	v28 =	vld.idx.msk [tilespmem:v29+s5+$0x0], $0xffff;
	[tilespmem:s1+$0x60] =	vst v26;
	v26 =	vor.u32 v8, v13  }
0x1d9: {  	v27 =	vld.idx.msk [tilespmem:v27+s5+$0x0], $0xffff;
	[tilespmem:s0+$0x10] =	vst v24;
	v24 =	vor.u32 v8, v15  }
0x1da: {  	v29 =	vor.u32 v3, v19;
	v30 =	vld.idx.msk [tilespmem:v30+s5+$0x0], $0xffff;
	[tilespmem:s29+$0x70] =	vst v22  }
0x1db: {  	v22 =	vor.u32 v3, v14;
	[tilespmem:s3+$0x20] =	vst v23;
	v31 =	vld.idx.msk [tilespmem:v31+s5+$0x0], $0xffff  }
0x1dc: {  	v33 =	vor.u32 v3, v17;
	v32 =	vld.idx.msk [tilespmem:v21+s5+$0x0], $0xffff;
	[tilespmem:s30+$0x70] =	vst v18  }
0x1dd: {  	v34 =	vor.u32 v8, v10;
	v35 =	vld.idx.msk [tilespmem:v26+s5+$0x0], $0xffff;
	[tilespmem:s31+$0x70] =	vst v25  }
0x1de: {  	v36 =	vor.u32 v4, v20;
	[tilespmem:s10+$0x20] =	vst v28;
	v21 =	vld.idx.msk [tilespmem:v24+s5+$0x0], $0xffff  }
.Ltmp5:
0x1df: {  	v23 =	vor.u32 v9, v13;
	v13 =	vmov v20;
	v18 =	vor.u32 v9, v12;
	[tilespmem:s7+$0x20] =	vst v27;
	v24 =	vld.idx.msk [tilespmem:v29+s5+$0x0], $0xffff;
	(pc) =	sbr.rel @p1 .LBB2_14-.Ltmp5, $4  }
0x1e0: {  	v20 =	vor.u32 v8, v12;
	v12 =	vmov v17;
	v25 =	vld.idx.msk [tilespmem:v22+s5+$0x0], $0xffff;
	[tilespmem:s0+$0x20] =	vst v30;
	v22 =	vor.u32 v9, v15  }
0x1e1: {  	v15 =	vmov v19;
	v26 =	vld.idx.msk [tilespmem:v33+s5+$0x0], $0xffff;
	[tilespmem:s1+$0x70] =	vst v31;
	s1 =	smov.u32 s7  }
0x1e2: {  	v17 =	vor.u32 v4, v14;
	[tilespmem:s3+$0x30] =	vst v32;
	v19 =	vld.idx.msk [tilespmem:v34+s5+$0x0], $0xffff  }
0x1e3: {  	v28 =	vor.u32 v4, v12;
	s7 =	smov.u32 s13;
	v27 =	vld.idx.msk [tilespmem:v36+s5+$0x0], $0xffff;
	[tilespmem:s30+$0x400] =	vst v35  }
0x1e4: {  	_ =	sdelay $0x2  }
0x1e5: {  	[tilespmem:s10+$0x30] =	vst v24  }
0x1e6: {  	v11 =	vor.u32 v5, v13;
	[tilespmem:s1+$0x30] =	vst v25;
	v16 =	vld.idx.msk [tilespmem:v16+s5+$0x0], $0xffff  }
0x1e7: {  	v36 =	vor.u32 v5, v15;
	v17 =	vld.idx.msk [tilespmem:v17+s5+$0x0], $0xffff;
	[tilespmem:s0+$0x30] =	vst v26  }
0x1e8: {  	v38 =	vor.u32 v5, v14;
	v37 =	vld.idx.msk [tilespmem:v28+s5+$0x0], $0xffff  }
0x1e9: {  	v39 =	vor.u32 v5, v12  }
0x1ea: {  	[tilespmem:s3+$0x40] =	vst v27  }
0x1eb: {  	v11 =	vld.idx.msk [tilespmem:v11+s5+$0x0], $0xffff;
	[tilespmem:s10+$0x40] =	vst v16  }
0x1ec: {  	v40 =	vor.u32 v6, v13;
	[tilespmem:s1+$0x40] =	vst v17;
	v41 =	vld.idx.msk [tilespmem:v36+s5+$0x0], $0xffff  }
0x1ed: {  	v43 =	vor.u32 v6, v15;
	[tilespmem:s0+$0x40] =	vst v37;
	v42 =	vld.idx.msk [tilespmem:v38+s5+$0x0], $0xffff  }
0x1ee: {  	v45 =	vor.u32 v6, v14;
	v44 =	vld.idx.msk [tilespmem:v39+s5+$0x0], $0xffff  }
0x1ef: {  	v46 =	vor.u32 v6, v12  }
0x1f0: {  	[tilespmem:s3+$0x50] =	vst v11  }
0x1f1: {  	v11 =	vld.idx.msk [tilespmem:v40+s5+$0x0], $0xffff;
	[tilespmem:s10+$0x50] =	vst v41  }
0x1f2: {  	v48 =	vor.u32 v7, v13;
	v47 =	vld.idx.msk [tilespmem:v43+s5+$0x0], $0xffff;
	[tilespmem:s1+$0x50] =	vst v42  }
0x1f3: {  	v49 =	vor.u32 v7, v15;
	[tilespmem:s0+$0x50] =	vst v44;
	v24 =	vld.idx.msk [tilespmem:v45+s5+$0x0], $0xffff  }
0x1f4: {  	v50 =	vor.u32 v7, v14;
	v26 =	vld.idx.msk [tilespmem:v46+s5+$0x0], $0xffff  }
0x1f5: {  	[tilespmem:s31+$0x400] =	vst v21;
	v51 =	vor.u32 v7, v12  }
0x1f6: {  	v23 =	vld.idx.msk [tilespmem:v23+s5+$0x0], $0xffff;
	[tilespmem:s3+$0x60] =	vst v11  }
0x1f7: {  	v11 =	vld.idx.msk [tilespmem:v48+s5+$0x0], $0xffff;
	[tilespmem:s10+$0x60] =	vst v47  }
0x1f8: {  	v52 =	vor.u32 v8, v13;
	v16 =	vld.idx.msk [tilespmem:v49+s5+$0x0], $0xffff;
	[tilespmem:s1+$0x60] =	vst v24  }
0x1f9: {  	s7 =	sor.u32 $0x400, s12;
	v53 =	vor.u32 v8, v15;
	[tilespmem:s0+$0x60] =	vst v26;
	v54 =	vld.idx.msk [tilespmem:v50+s5+$0x0], $0xffff  }
0x1fa: {  	v56 =	vor.u32 v8, v14;
	[tilespmem:s7+$0xE00] =	vst v19;
	v55 =	vld.idx.msk [tilespmem:v51+s5+$0x0], $0xffff  }
0x1fb: {  	v57 =	vor.u32 v8, v12;
	v20 =	vld.idx.msk [tilespmem:v20+s5+$0x0], $0xffff;
	[tilespmem:s30+$0x40E] =	vst v23  }
0x1fc: {  	v10 =	vor.u32 v9, v10;
	v22 =	vld.idx.msk [tilespmem:v22+s5+$0x0], $0xffff;
	[tilespmem:s3+$0x70] =	vst v11  }
0x1fd: {  	v11 =	vld.idx.msk [tilespmem:v52+s5+$0x0], $0xffff;
	[tilespmem:s10+$0x70] =	vst v16  }
0x1fe: {  	v58 =	vor.u32 v9, v13;
	v16 =	vld.idx.msk [tilespmem:v53+s5+$0x0], $0xffff;
	[tilespmem:s1+$0x70] =	vst v54  }
0x1ff: {  	v59 =	vor.u32 v9, v15;
	[tilespmem:s0+$0x70] =	vst v55;
	v60 =	vld.idx.msk [tilespmem:v56+s5+$0x0], $0xffff  }
0x200: {  	v61 =	vor.u32 v9, v14;
	[tilespmem:s29+$0x400] =	vst v20;
	v19 =	vld.idx.msk [tilespmem:v57+s5+$0x0], $0xffff  }
0x201: {  	v62 =	vor.u32 v9, v12;
	v10 =	vld.idx.msk [tilespmem:v10+s5+$0x0], $0xffff;
	[tilespmem:s31+$0x40E] =	vst v22  }
0x202: {  	v18 =	vld.idx.msk [tilespmem:v18+s5+$0x0], $0xffff;
	[tilespmem:s3+$0x400] =	vst v11  }
0x203: {  	s23 =	sor.u32 $0x400, s11;
	v11 =	vld.idx.msk [tilespmem:v58+s5+$0x0], $0xffff;
	[tilespmem:s10+$0x400] =	vst v16  }
0x204: {  	v63 =	vld.idx.msk [tilespmem:v59+s5+$0x0], $0xffff;
	[tilespmem:s23+$0xE00] =	vst v60  }
0x205: {  	s28 =	sadd.s32 $0x1, s28;
	s30 =	sor.u32 $0x40E, s12;
	v14 =	vld.idx.msk [tilespmem:v61+s5+$0x0], $0xffff;
	[tilespmem:s0+$0x400] =	vst v19  }
0x206: {  	p0 =	sne.s32 s28, $0xD;
	[tilespmem:s30+$0xE00] =	vst v10;
	v10 =	vld.idx.msk [tilespmem:v62+s5+$0x0], $0xffff  }
.Ltmp6:
0x207: {  	[tilespmem:s29+$0x40E] =	vst v18;
	(pc) =	sbr.rel @p0 .LBB2_13-.Ltmp6, $4  }
0x208: {  	[tilespmem:s3+$0x40E] =	vst v11  }
0x209: {  	s31 =	sor.u32 $0x40E, s11;
	[tilespmem:s10+$0x40E] =	vst v63  }
0x20a: {  	[tilespmem:s31+$0xE00] =	vst v14  }
0x20b: {  	s26 =	sadd.s32 $0x10, s26;
	[tilespmem:s0+$0x40E] =	vst v10  }
0x20c: {  	s0 =	sshll.u32 s24, $0x1  }
0x20d: {  	s25 =	sadd.s32 s4, s0  }
0x20e: {  	s0 =	smul.u32 $0x1900, s25  }
0x20f: {  	s26 =	simm.s32 $0x0;
	s1 =	smin.u32 s25, $0x3FFD  }
0x210: {  	s3 =	simm.s32 $0xE00;
	s1 =	smul.u32 $0xC8, s1;
	s0 =	sadd.s32 s6, s0  }
0x211: {  	[hbm4b:s0+s26] =	stream.linear.scatter [tilespmem:s3], [sflag:$0x4], $0xC800, $0x38;
	[tilespmem:$0x19E00] =	vst v63  }
0x212: {  	s31 =	sshrl.u32 s1, $0x3  }
0x213: {  	s0 =	sadd.s32 s2, s31  }
0x214: {  	s0 =	sadd.s32 $0x32, s0  }
0x215: {  	[tilespmem:s14], [sflag:$0x2] =	stream.linear.gather [hbm4b:s0+s26], $0xC8, $0x38;
	[tilespmem:$0x19E00] =	vst v63  }
0x216: {  	_ =	swait.ge [sflag:s22], $0xC800  }
0x217: {  	[sflag:s22] =	ssyncset.done $0x0  }
0x218: {  	[sflag:s22] =	ssyncadd.s32 $0xFFFF3800  }
0x219: {  	_ =	swait.ge [sflag:s19], $0xC8  }
0x21a: {  	[sflag:s19] =	ssyncset.done $0x0  }
0x21b: {  	s28 =	simm.s32 $0x0;
	s29 =	simm.s32 $0x0;
	[sflag:s19] =	ssyncadd.s32 $0xFFFFFF38  }
.LBB2_17:
0x21c: {  	s0 =	sshll.u32 s29, $0x4  }
0x21d: {  	s0 =	smin.u32 s0, $0xB8  }
0x21e: {  	v11 =	vld [tilespmem:s0+$0xD00];
	_ =	sdelay $0x2  }
0x21f: {  	s10 =	simm.s32 $0x1  }
0x220: {  	v10 =	vmov s10  }
0x221: {  	s11 =	simm.s32 $0x3;
	v10 =	vperm.xlane v11, v10  }
0x222: {  	v12 =	vmov s11  }
0x223: {  	v12 =	vperm.xlane v11, v12;
	v18 =	vshll.u32 v10, $0x8  }
0x224: {  	s12 =	simm.s32 $0x2;
	v10 =	vmov s26;
	v13 =	vor.u32 v0, v18  }
0x225: {  	v14 =	vmov s12;
	v17 =	vshll.u32 v12, $0x8;
	v10 =	vperm.xlane v11, v10  }
0x226: {  	v12 =	vperm.xlane v11, v14;
	v14 =	vor.u32 v0, v17  }
0x227: {  	v10 =	vshll.u32 v10, $0x8  }
0x228: {  	v19 =	vshll.u32 v12, $0x8;
	v15 =	vor.u32 v0, v10  }
0x229: {  	s13 =	smin.u32 s28, $0xB8;
	v12 =	vor.u32 v0, v19;
	v13 =	vld.idx.msk [tilespmem:v13+s5+$0x0], $0xffff  }
0x22a: {  	s12 =	sshll.u32 s13, $0x8;
	v16 =	vor.u32 v1, v18  }
0x22b: {  	s1 =	simm.s32 $0x80;
	s0 =	sand.u32 $0x1F800, s12;
	v14 =	vld.idx.msk [tilespmem:v14+s5+$0x0], $0xffff  }
0x22c: {  	s1 =	sand.u32 $0x280, s1;
	s0 =	sadd.s32 $0xD600, s0;
	v20 =	vor.u32 v1, v17  }
0x22d: {  	s3 =	simm.s32 $0x180;
	s31 =	sadd.s32 s1, s0;
	v15 =	vld.idx.msk [tilespmem:v15+s5+$0x0], $0xffff  }
0x22e: {  	s16 =	sand.u32 $0x380, s3;
	v21 =	vor.u32 v1, v10;
	v12 =	vld.idx.msk [tilespmem:v12+s5+$0x0], $0xffff;
	[tilespmem:s31+$0x0] =	vst v13  }
0x22f: {  	s18 =	simm.s32 $0x0;
	s30 =	sadd.s32 s16, s0;
	v13 =	vor.u32 v1, v19;
	v16 =	vld.idx.msk [tilespmem:v16+s5+$0x0], $0xffff  }
0x230: {  	s23 =	simm.s32 $0x100;
	s20 =	sand.u32 $0x200, s18;
	[tilespmem:s30+$0x0] =	vst v14;
	v14 =	vor.u32 v2, v18  }
0x231: {  	s3 =	sand.u32 $0x300, s23;
	s7 =	sadd.s32 s20, s0;
	v20 =	vld.idx.msk [tilespmem:v20+s5+$0x0], $0xffff  }
0x232: {  	s1 =	sadd.s32 s3, s0;
	[tilespmem:s7+$0x0] =	vst v15;
	v15 =	vor.u32 v2, v17  }
0x233: {  	[tilespmem:s1+$0x0] =	vst v12;
	v21 =	vld.idx.msk [tilespmem:v21+s5+$0x0], $0xffff  }
0x234: {  	v12 =	vld.idx.msk [tilespmem:v13+s5+$0x0], $0xffff;
	v13 =	vor.u32 v2, v10;
	[tilespmem:s31+$0x10] =	vst v16  }
0x235: {  	v16 =	vor.u32 v2, v19;
	v14 =	vld.idx.msk [tilespmem:v14+s5+$0x0], $0xffff  }
0x236: {  	v22 =	vor.u32 v3, v18;
	[tilespmem:s30+$0x10] =	vst v20  }
0x237: {  	v15 =	vld.idx.msk [tilespmem:v15+s5+$0x0], $0xffff  }
0x238: {  	v20 =	vor.u32 v3, v17;
	[tilespmem:s7+$0x10] =	vst v21  }
0x239: {  	[tilespmem:s1+$0x10] =	vst v12;
	v12 =	vld.idx.msk [tilespmem:v13+s5+$0x0], $0xffff  }
0x23a: {  	v13 =	vld.idx.msk [tilespmem:v16+s5+$0x0], $0xffff;
	v16 =	vor.u32 v3, v10;
	[tilespmem:s31+$0x20] =	vst v14  }
0x23b: {  	v14 =	vor.u32 v3, v19;
	v21 =	vld.idx.msk [tilespmem:v22+s5+$0x0], $0xffff  }
0x23c: {  	v22 =	vor.u32 v4, v18;
	[tilespmem:s30+$0x20] =	vst v15  }
0x23d: {  	v15 =	vld.idx.msk [tilespmem:v20+s5+$0x0], $0xffff  }
0x23e: {  	s8 =	simm.s32 $0x4;
	[tilespmem:s7+$0x20] =	vst v12;
	v12 =	vor.u32 v4, v17  }
0x23f: {  	[tilespmem:s1+$0x20] =	vst v13;
	v13 =	vld.idx.msk [tilespmem:v16+s5+$0x0], $0xffff;
	v16 =	vmov s8  }
0x240: {  	s9 =	simm.s32 $0x5;
	s10 =	simm.s32 $0x7;
	v23 =	vor.u32 v4, v10;
	v20 =	vld.idx.msk [tilespmem:v14+s5+$0x0], $0xffff;
	v14 =	vperm.xlane v11, v16;
	[tilespmem:s31+$0x30] =	vst v21  }
0x241: {  	v24 =	vmov s9;
	v25 =	vmov s10;
	v16 =	vor.u32 v4, v19;
	v21 =	vld.idx.msk [tilespmem:v22+s5+$0x0], $0xffff  }
0x242: {  	v24 =	vperm.xlane v11, v24;
	v22 =	vor.u32 v5, v18;
	v14 =	vshll.u32 v14, $0x8;
	[tilespmem:s30+$0x30] =	vst v15  }
0x243: {  	s11 =	simm.s32 $0x6;
	v15 =	vperm.xlane v11, v25;
	v25 =	vor.u32 v0, v14;
	v26 =	vld.idx.msk [tilespmem:v12+s5+$0x0], $0xffff  }
0x244: {  	v27 =	vor.u32 v5, v17;
	v12 =	vmov s11;
	[tilespmem:s7+$0x30] =	vst v13;
	v13 =	vshll.u32 v24, $0x8  }
0x245: {  	[tilespmem:s1+$0x30] =	vst v20;
	v20 =	vperm.xlane v11, v12;
	v23 =	vld.idx.msk [tilespmem:v23+s5+$0x0], $0xffff;
	v12 =	vshll.u32 v15, $0x8;
	v24 =	vor.u32 v0, v13  }
0x246: {  	v28 =	vor.u32 v0, v12;
	v16 =	vld.idx.msk [tilespmem:v16+s5+$0x0], $0xffff;
	[tilespmem:s31+$0x40] =	vst v21  }
0x247: {  	v15 =	vshll.u32 v20, $0x8;
	v21 =	vor.u32 v5, v19;
	v20 =	vld.idx.msk [tilespmem:v22+s5+$0x0], $0xffff  }
0x248: {  	v22 =	vor.u32 v0, v15;
	v25 =	vld.idx.msk [tilespmem:v25+s5+$0x0], $0xffff;
	[tilespmem:s30+$0x40] =	vst v26  }
0x249: {  	v26 =	vor.u32 v5, v10;
	v27 =	vld.idx.msk [tilespmem:v27+s5+$0x0], $0xffff  }
0x24a: {  	s9 =	sadd.s32 $0x400, s12;
	v29 =	vor.u32 v6, v18;
	v24 =	vld.idx.msk [tilespmem:v24+s5+$0x0], $0xffff  }
0x24b: {  	s13 =	sand.u32 $0x1F800, s9;
	s16 =	simm.s32 $0x200;
	[tilespmem:s1+$0x40] =	vst v16;
	v16 =	vld.idx.msk [tilespmem:v28+s5+$0x0], $0xffff;
	v28 =	vor.u32 v6, v17  }
0x24c: {  	s3 =	sand.u32 $0x200, s16;
	s11 =	sadd.s32 $0xD600, s13;
	[tilespmem:s7+$0x40] =	vst v23;
	v23 =	vor.u32 v1, v13;
	v21 =	vld.idx.msk [tilespmem:v21+s5+$0x0], $0xffff  }
0x24d: {  	s18 =	simm.s32 $0x280;
	s0 =	sadd.s32 s3, s11;
	[tilespmem:s31+$0x50] =	vst v20;
	v20 =	vor.u32 v1, v14;
	v22 =	vld.idx.msk [tilespmem:v22+s5+$0x0], $0xffff  }
0x24e: {  	s10 =	simm.s32 $0x380;
	s3 =	sand.u32 $0x280, s18;
	[tilespmem:s0+$0x0] =	vst v25;
	v25 =	vld.idx.msk [tilespmem:v26+s5+$0x0], $0xffff;
	v26 =	vor.u32 v6, v19  }
0x24f: {  	s20 =	sand.u32 $0x380, s10;
	s8 =	sadd.s32 s3, s11;
	v30 =	vor.u32 v1, v15;
	v29 =	vld.idx.msk [tilespmem:v29+s5+$0x0], $0xffff;
	[tilespmem:s30+$0x50] =	vst v27  }
0x250: {  	s13 =	simm.s32 $0x300;
	s3 =	sadd.s32 s20, s11;
	[tilespmem:s8+$0x0] =	vst v24;
	v24 =	vor.u32 v6, v10;
	v27 =	vld.idx.msk [tilespmem:v28+s5+$0x0], $0xffff  }
0x251: {  	s13 =	sand.u32 $0x300, s13;
	v23 =	vld.idx.msk [tilespmem:v23+s5+$0x0], $0xffff;
	[tilespmem:s3+$0x0] =	vst v16;
	v16 =	vor.u32 v1, v12  }
0x252: {  	s11 =	sadd.s32 s13, s11;
	[tilespmem:s1+$0x50] =	vst v21;
	v21 =	vor.u32 v7, v17;
	v20 =	vld.idx.msk [tilespmem:v20+s5+$0x0], $0xffff  }
0x253: {  	v28 =	vor.u32 v2, v13;
	[tilespmem:s11+$0x0] =	vst v22;
	v22 =	vld.idx.msk [tilespmem:v26+s5+$0x0], $0xffff  }
0x254: {  	[tilespmem:s7+$0x50] =	vst v25;
	v25 =	vor.u32 v7, v18;
	v26 =	vld.idx.msk [tilespmem:v30+s5+$0x0], $0xffff  }
0x255: {  	[tilespmem:s31+$0x60] =	vst v29;
	v29 =	vor.u32 v7, v19;
	v24 =	vld.idx.msk [tilespmem:v24+s5+$0x0], $0xffff  }
0x256: {  	v30 =	vor.u32 v2, v15;
	v16 =	vld.idx.msk [tilespmem:v16+s5+$0x0], $0xffff;
	[tilespmem:s30+$0x60] =	vst v27  }
0x257: {  	v27 =	vor.u32 v2, v14;
	[tilespmem:s8+$0x10] =	vst v23;
	v21 =	vld.idx.msk [tilespmem:v21+s5+$0x0], $0xffff  }
0x258: {  	v23 =	vor.u32 v2, v12;
	[tilespmem:s0+$0x10] =	vst v20;
	v20 =	vld.idx.msk [tilespmem:v28+s5+$0x0], $0xffff  }
0x259: {  	v28 =	vor.u32 v7, v10;
	v25 =	vld.idx.msk [tilespmem:v25+s5+$0x0], $0xffff;
	[tilespmem:s1+$0x60] =	vst v22  }
0x25a: {  	v22 =	vor.u32 v3, v13;
	[tilespmem:s11+$0x10] =	vst v26;
	v26 =	vld.idx.msk [tilespmem:v29+s5+$0x0], $0xffff  }
0x25b: {  	v29 =	vld.idx.msk [tilespmem:v30+s5+$0x0], $0xffff;
	[tilespmem:s7+$0x60] =	vst v24;
	v24 =	vor.u32 v8, v18  }
0x25c: {  	v27 =	vld.idx.msk [tilespmem:v27+s5+$0x0], $0xffff;
	[tilespmem:s3+$0x10] =	vst v16;
	v16 =	vor.u32 v8, v19  }
0x25d: {  	v30 =	vor.u32 v3, v15;
	v23 =	vld.idx.msk [tilespmem:v23+s5+$0x0], $0xffff;
	[tilespmem:s30+$0x70] =	vst v21  }
0x25e: {  	v31 =	vor.u32 v3, v14;
	[tilespmem:s8+$0x20] =	vst v20;
	v20 =	vld.idx.msk [tilespmem:v28+s5+$0x0], $0xffff  }
0x25f: {  	[tilespmem:s31+$0x70] =	vst v25;
	v28 =	vld.idx.msk [tilespmem:v22+s5+$0x0], $0xffff;
	v22 =	vor.u32 v3, v12  }
0x260: {  	v32 =	vor.u32 v8, v10;
	[tilespmem:s1+$0x70] =	vst v26;
	v33 =	vld.idx.msk [tilespmem:v24+s5+$0x0], $0xffff  }
0x261: {  	v34 =	vor.u32 v4, v13;
	[tilespmem:s11+$0x20] =	vst v29;
	v21 =	vld.idx.msk [tilespmem:v16+s5+$0x0], $0xffff  }
0x262: {  	p1 =	por $0x0, $0x0;
	[tilespmem:s0+$0x20] =	vst v27;
	v24 =	vld.idx.msk [tilespmem:v30+s5+$0x0], $0xffff  }
0x263: {  	p0 =	por !p1, !p1;
	s16 =	simm.s32 $0x1;
	s13 =	simm.s32 $0x1;
	v25 =	vld.idx.msk [tilespmem:v31+s5+$0x0], $0xffff;
	[tilespmem:s3+$0x20] =	vst v23;
	v23 =	vor.u32 v9, v18  }
0x264: {  	s16 =	simm.s32 @!p0 $0x0;
	s13 =	simm.s32 @!p1 $0x0;
	v16 =	vor.u32 v4, v15;
	[tilespmem:s7+$0x70] =	vst v20;
	v26 =	vld.idx.msk [tilespmem:v22+s5+$0x0], $0xffff;
	v22 =	vor.u32 v9, v19  }
0x265: {  	s18 =	sshll.u32 s16, $0x9;
	s23 =	sshll.u32 s13, $0x9;
	v18 =	vor.u32 v9, v17;
	v20 =	vor.u32 v8, v17;
	[tilespmem:s8+$0x30] =	vst v28;
	v19 =	vld.idx.msk [tilespmem:v32+s5+$0x0], $0xffff  }
0x266: {  	s16 =	simm.s32 $0x8;
	s13 =	sadd.s32 s23, s12;
	s12 =	sadd.s32 s18, s9;
	v17 =	vor.u32 v4, v14;
	v28 =	vor.u32 v4, v12;
	v27 =	vld.idx.msk [tilespmem:v34+s5+$0x0], $0xffff;
	[tilespmem:s31+$0x400] =	vst v33  }
.LBB2_18:
0x267: {  	s18 =	sadd.s32 $0x1, s16  }
0x268: {  	v29 =	vmov s16;
	s23 =	sadd.s32 $0x3, s16;
	v30 =	vor.u32 v5, v13;
	v31 =	vor.u32 v9, v10;
	v23 =	vld.idx.msk [tilespmem:v23+s5+$0x0], $0xffff;
	[tilespmem:s1+$0x400] =	vst v21;
	v10 =	vmovc v14;
	s20 =	smov.u32 s16;
	s7 =	sadd.s32 $0x4, s16  }
0x269: {  	p1 =	slt.u32 s16, $0xC;
	v14 =	vperm.xlane v11, v29;
	v21 =	vmov s18;
	s18 =	sadd.s32 $0x2, s20;
	v29 =	vmov s23;
	[tilespmem:s11+$0x30] =	vst v24;
	v22 =	vld.idx.msk [tilespmem:v22+s5+$0x0], $0xffff  }
0x26a: {  	v21 =	vperm.xlane v11, v21;
	v24 =	vmov s18;
	v29 =	vperm.xlane v11, v29;
	[tilespmem:s0+$0x30] =	vst v25;
	v25 =	vld.idx.msk [tilespmem:v20+s5+$0x0], $0xffff  }
0x26b: {  	s16 =	sor.u32 $0x400, s13;
	v14 =	vshll.u32 v14, $0x8;
	v24 =	vperm.xlane v11, v24;
	v32 =	vld.idx.msk [tilespmem:v17+s5+$0x0], $0xffff;
	[tilespmem:s3+$0x30] =	vst v26;
	v26 =	vor.u32 v5, v12  }
0x26c: {  	v33 =	vor.u32 v0, v14;
	v20 =	vshll.u32 v21, $0x8;
	v17 =	vshll.u32 v29, $0x8;
	v21 =	vld.idx.msk [tilespmem:v28+s5+$0x0], $0xffff;
	[tilespmem:s16+$0xD600] =	vst v19  }
0x26d: {  	v28 =	vor.u32 v0, v20;
	v19 =	vshll.u32 v24, $0x8;
	v24 =	vor.u32 v0, v17;
	[tilespmem:s8+$0x40] =	vst v27;
	v27 =	vld.idx.msk [tilespmem:v16+s5+$0x0], $0xffff  }
0x26e: {  	v29 =	vor.u32 v0, v19;
	v16 =	vor.u32 v4, v19;
	v30 =	vld.idx.msk [tilespmem:v30+s5+$0x0], $0xffff;
	[tilespmem:s31+$0x40E] =	vst v23;
	s31 =	smov.u32 s8  }
0x26f: {  	v23 =	vld.idx.msk [tilespmem:v31+s5+$0x0], $0xffff;
	[tilespmem:s1+$0x40E] =	vst v22;
	s1 =	smov.u32 s11  }
0x270: {  	[tilespmem:s30+$0x400] =	vst v25  }
0x271: {  	p0 =	por !p0, !p0;
	s8 =	simm.s32 $0x1;
	v22 =	vor.u32 v5, v15;
	[tilespmem:s0+$0x40] =	vst v32;
	v18 =	vld.idx.msk [tilespmem:v18+s5+$0x0], $0xffff  }
0x272: {  	s8 =	simm.s32 @!p0 $0x0;
	v25 =	vld.idx.msk [tilespmem:v33+s5+$0x0], $0xffff;
	[tilespmem:s3+$0x40] =	vst v21  }
0x273: {  	s10 =	sadd.s32 $0x200, s10;
	s9 =	sadd.s32 $0x400, s9;
	s8 =	sshll.u32 s8, $0x9;
	v21 =	vor.u32 v5, v10;
	[tilespmem:s1+$0x40] =	vst v27;
	v26 =	vld.idx.msk [tilespmem:v26+s5+$0x0], $0xffff  }
0x274: {  	s11 =	sor.u32 $0x40E, s13;
	s13 =	smov.u32 s12;
	s12 =	sadd.s32 s8, s9;
	v27 =	vld.idx.msk [tilespmem:v28+s5+$0x0], $0xffff;
	[tilespmem:s31+$0x50] =	vst v30;
	v28 =	vor.u32 v6, v13  }
0x275: {  	s16 =	sadd.s32 $0xFFFFFE80, s10;
	s8 =	sand.u32 $0x1F800, s9;
	v30 =	vor.u32 v6, v12;
	v24 =	vld.idx.msk [tilespmem:v24+s5+$0x0], $0xffff;
	[tilespmem:s11+$0xD600] =	vst v23  }
0x276: {  	s18 =	sadd.s32 $0xD600, s8;
	s11 =	sand.u32 $0x200, s16;
	v23 =	vor.u32 v1, v20;
	v22 =	vld.idx.msk [tilespmem:v22+s5+$0x0], $0xffff  }
0x277: {  	v31 =	vor.u32 v1, v14;
	s8 =	sadd.s32 $0xFFFFFF00, s10;
	s16 =	sadd.s32 s11, s18;
	v29 =	vld.idx.msk [tilespmem:v29+s5+$0x0], $0xffff;
	[tilespmem:s30+$0x40E] =	vst v18;
	s30 =	smov.u32 s3  }
0x278: {  	s3 =	sand.u32 $0x280, s8;
	[tilespmem:s16+$0x0] =	vst v25;
	v18 =	vld.idx.msk [tilespmem:v21+s5+$0x0], $0xffff;
	v21 =	vor.u32 v6, v15  }
0x279: {  	s8 =	sadd.s32 s3, s18;
	v25 =	vor.u32 v1, v19;
	s3 =	sand.u32 $0x380, s10;
	v28 =	vld.idx.msk [tilespmem:v28+s5+$0x0], $0xffff;
	[tilespmem:s30+$0x50] =	vst v26  }
0x27a: {  	s11 =	sadd.s32 $0xFFFFFF80, s10;
	s3 =	sadd.s32 s3, s18;
	v26 =	vor.u32 v6, v10;
	[tilespmem:s8+$0x0] =	vst v27;
	v27 =	vld.idx.msk [tilespmem:v30+s5+$0x0], $0xffff  }
0x27b: {  	s11 =	sand.u32 $0x300, s11;
	v23 =	vld.idx.msk [tilespmem:v23+s5+$0x0], $0xffff;
	[tilespmem:s3+$0x0] =	vst v24;
	v24 =	vor.u32 v1, v17  }
0x27c: {  	s11 =	sadd.s32 s11, s18;
	v30 =	vld.idx.msk [tilespmem:v31+s5+$0x0], $0xffff;
	[tilespmem:s1+$0x50] =	vst v22;
	v22 =	vor.u32 v7, v12  }
0x27d: {  	v31 =	vor.u32 v2, v20;
	[tilespmem:s11+$0x0] =	vst v29;
	v21 =	vld.idx.msk [tilespmem:v21+s5+$0x0], $0xffff  }
0x27e: {  	v25 =	vld.idx.msk [tilespmem:v25+s5+$0x0], $0xffff;
	[tilespmem:s0+$0x50] =	vst v18;
	v18 =	vor.u32 v7, v13  }
0x27f: {  	v26 =	vld.idx.msk [tilespmem:v26+s5+$0x0], $0xffff;
	[tilespmem:s31+$0x60] =	vst v28;
	v28 =	vor.u32 v7, v15  }
0x280: {  	v29 =	vor.u32 v2, v19;
	v24 =	vld.idx.msk [tilespmem:v24+s5+$0x0], $0xffff;
	[tilespmem:s30+$0x60] =	vst v27  }
0x281: {  	v27 =	vor.u32 v2, v14;
	[tilespmem:s8+$0x10] =	vst v23;
	v22 =	vld.idx.msk [tilespmem:v22+s5+$0x0], $0xffff  }
0x282: {  	[tilespmem:s16+$0x10] =	vst v30;
	v23 =	vld.idx.msk [tilespmem:v31+s5+$0x0], $0xffff;
	v30 =	vor.u32 v2, v17  }
0x283: {  	v31 =	vor.u32 v7, v10;
	v18 =	vld.idx.msk [tilespmem:v18+s5+$0x0], $0xffff;
	[tilespmem:s1+$0x60] =	vst v21  }
0x284: {  	v21 =	vor.u32 v3, v20;
	[tilespmem:s11+$0x10] =	vst v25;
	v25 =	vld.idx.msk [tilespmem:v28+s5+$0x0], $0xffff  }
0x285: {  	v28 =	vld.idx.msk [tilespmem:v29+s5+$0x0], $0xffff;
	[tilespmem:s0+$0x60] =	vst v26;
	v26 =	vor.u32 v8, v13  }
0x286: {  	v27 =	vld.idx.msk [tilespmem:v27+s5+$0x0], $0xffff;
	[tilespmem:s3+$0x10] =	vst v24;
	v24 =	vor.u32 v8, v15  }
0x287: {  	v29 =	vor.u32 v3, v19;
	v30 =	vld.idx.msk [tilespmem:v30+s5+$0x0], $0xffff;
	[tilespmem:s30+$0x70] =	vst v22  }
0x288: {  	v22 =	vor.u32 v3, v14;
	[tilespmem:s8+$0x20] =	vst v23;
	v31 =	vld.idx.msk [tilespmem:v31+s5+$0x0], $0xffff  }
0x289: {  	v33 =	vor.u32 v3, v17;
	v32 =	vld.idx.msk [tilespmem:v21+s5+$0x0], $0xffff;
	[tilespmem:s31+$0x70] =	vst v18  }
0x28a: {  	v34 =	vor.u32 v8, v10;
	v35 =	vld.idx.msk [tilespmem:v26+s5+$0x0], $0xffff;
	[tilespmem:s1+$0x70] =	vst v25  }
0x28b: {  	v36 =	vor.u32 v4, v20;
	[tilespmem:s11+$0x20] =	vst v28;
	v21 =	vld.idx.msk [tilespmem:v24+s5+$0x0], $0xffff  }
.Ltmp7:
0x28c: {  	v23 =	vor.u32 v9, v13;
	v13 =	vmov v20;
	v18 =	vor.u32 v9, v12;
	[tilespmem:s16+$0x20] =	vst v27;
	v24 =	vld.idx.msk [tilespmem:v29+s5+$0x0], $0xffff;
	(pc) =	sbr.rel @p1 .LBB2_18-.Ltmp7, $4  }
0x28d: {  	v20 =	vor.u32 v8, v12;
	v12 =	vmov v17;
	v25 =	vld.idx.msk [tilespmem:v22+s5+$0x0], $0xffff;
	[tilespmem:s3+$0x20] =	vst v30;
	v22 =	vor.u32 v9, v15  }
0x28e: {  	v15 =	vmov v19;
	v26 =	vld.idx.msk [tilespmem:v33+s5+$0x0], $0xffff;
	[tilespmem:s0+$0x70] =	vst v31;
	s0 =	smov.u32 s16  }
0x28f: {  	v17 =	vor.u32 v4, v14;
	[tilespmem:s8+$0x30] =	vst v32;
	v19 =	vld.idx.msk [tilespmem:v34+s5+$0x0], $0xffff  }
0x290: {  	v28 =	vor.u32 v4, v12;
	s16 =	smov.u32 s7;
	v27 =	vld.idx.msk [tilespmem:v36+s5+$0x0], $0xffff;
	[tilespmem:s31+$0x400] =	vst v35  }
0x291: {  	_ =	sdelay $0x2  }
0x292: {  	[tilespmem:s11+$0x30] =	vst v24  }
0x293: {  	v11 =	vor.u32 v5, v13;
	[tilespmem:s0+$0x30] =	vst v25;
	v16 =	vld.idx.msk [tilespmem:v16+s5+$0x0], $0xffff  }
0x294: {  	v36 =	vor.u32 v5, v15;
	v17 =	vld.idx.msk [tilespmem:v17+s5+$0x0], $0xffff;
	[tilespmem:s3+$0x30] =	vst v26  }
0x295: {  	v38 =	vor.u32 v5, v14;
	v37 =	vld.idx.msk [tilespmem:v28+s5+$0x0], $0xffff  }
0x296: {  	v39 =	vor.u32 v5, v12  }
0x297: {  	[tilespmem:s8+$0x40] =	vst v27  }
0x298: {  	v11 =	vld.idx.msk [tilespmem:v11+s5+$0x0], $0xffff;
	[tilespmem:s11+$0x40] =	vst v16  }
0x299: {  	v40 =	vor.u32 v6, v13;
	[tilespmem:s0+$0x40] =	vst v17;
	v41 =	vld.idx.msk [tilespmem:v36+s5+$0x0], $0xffff  }
0x29a: {  	v43 =	vor.u32 v6, v15;
	[tilespmem:s3+$0x40] =	vst v37;
	v42 =	vld.idx.msk [tilespmem:v38+s5+$0x0], $0xffff  }
0x29b: {  	v45 =	vor.u32 v6, v14;
	v44 =	vld.idx.msk [tilespmem:v39+s5+$0x0], $0xffff  }
0x29c: {  	v46 =	vor.u32 v6, v12  }
0x29d: {  	[tilespmem:s8+$0x50] =	vst v11  }
0x29e: {  	v11 =	vld.idx.msk [tilespmem:v40+s5+$0x0], $0xffff;
	[tilespmem:s11+$0x50] =	vst v41  }
0x29f: {  	v48 =	vor.u32 v7, v13;
	v47 =	vld.idx.msk [tilespmem:v43+s5+$0x0], $0xffff;
	[tilespmem:s0+$0x50] =	vst v42  }
0x2a0: {  	v49 =	vor.u32 v7, v15;
	[tilespmem:s3+$0x50] =	vst v44;
	v24 =	vld.idx.msk [tilespmem:v45+s5+$0x0], $0xffff  }
0x2a1: {  	v50 =	vor.u32 v7, v14;
	v26 =	vld.idx.msk [tilespmem:v46+s5+$0x0], $0xffff  }
0x2a2: {  	[tilespmem:s1+$0x400] =	vst v21;
	v51 =	vor.u32 v7, v12  }
0x2a3: {  	v23 =	vld.idx.msk [tilespmem:v23+s5+$0x0], $0xffff;
	[tilespmem:s8+$0x60] =	vst v11  }
0x2a4: {  	v11 =	vld.idx.msk [tilespmem:v48+s5+$0x0], $0xffff;
	[tilespmem:s11+$0x60] =	vst v47  }
0x2a5: {  	v52 =	vor.u32 v8, v13;
	v16 =	vld.idx.msk [tilespmem:v49+s5+$0x0], $0xffff;
	[tilespmem:s0+$0x60] =	vst v24  }
0x2a6: {  	s7 =	sor.u32 $0x400, s13;
	v53 =	vor.u32 v8, v15;
	[tilespmem:s3+$0x60] =	vst v26;
	v54 =	vld.idx.msk [tilespmem:v50+s5+$0x0], $0xffff  }
0x2a7: {  	v56 =	vor.u32 v8, v14;
	[tilespmem:s7+$0xD600] =	vst v19;
	v55 =	vld.idx.msk [tilespmem:v51+s5+$0x0], $0xffff  }
0x2a8: {  	v57 =	vor.u32 v8, v12;
	v20 =	vld.idx.msk [tilespmem:v20+s5+$0x0], $0xffff;
	[tilespmem:s31+$0x40E] =	vst v23  }
0x2a9: {  	v10 =	vor.u32 v9, v10;
	v22 =	vld.idx.msk [tilespmem:v22+s5+$0x0], $0xffff;
	[tilespmem:s8+$0x70] =	vst v11  }
0x2aa: {  	v11 =	vld.idx.msk [tilespmem:v52+s5+$0x0], $0xffff;
	[tilespmem:s11+$0x70] =	vst v16  }
0x2ab: {  	v58 =	vor.u32 v9, v13;
	v16 =	vld.idx.msk [tilespmem:v53+s5+$0x0], $0xffff;
	[tilespmem:s0+$0x70] =	vst v54  }
0x2ac: {  	v59 =	vor.u32 v9, v15;
	[tilespmem:s3+$0x70] =	vst v55;
	v60 =	vld.idx.msk [tilespmem:v56+s5+$0x0], $0xffff  }
0x2ad: {  	v61 =	vor.u32 v9, v14;
	[tilespmem:s30+$0x400] =	vst v20;
	v19 =	vld.idx.msk [tilespmem:v57+s5+$0x0], $0xffff  }
0x2ae: {  	v62 =	vor.u32 v9, v12;
	v10 =	vld.idx.msk [tilespmem:v10+s5+$0x0], $0xffff;
	[tilespmem:s1+$0x40E] =	vst v22  }
0x2af: {  	v18 =	vld.idx.msk [tilespmem:v18+s5+$0x0], $0xffff;
	[tilespmem:s8+$0x400] =	vst v11  }
0x2b0: {  	s20 =	sor.u32 $0x400, s12;
	v11 =	vld.idx.msk [tilespmem:v58+s5+$0x0], $0xffff;
	[tilespmem:s11+$0x400] =	vst v16  }
0x2b1: {  	v63 =	vld.idx.msk [tilespmem:v59+s5+$0x0], $0xffff;
	[tilespmem:s20+$0xD600] =	vst v60  }
0x2b2: {  	s23 =	sor.u32 $0x40E, s13;
	s29 =	sadd.s32 $0x1, s29;
	v14 =	vld.idx.msk [tilespmem:v61+s5+$0x0], $0xffff;
	[tilespmem:s3+$0x400] =	vst v19  }
0x2b3: {  	p0 =	sne.s32 s29, $0xD;
	[tilespmem:s23+$0xD600] =	vst v10;
	v10 =	vld.idx.msk [tilespmem:v62+s5+$0x0], $0xffff  }
.Ltmp8:
0x2b4: {  	[tilespmem:s30+$0x40E] =	vst v18;
	(pc) =	sbr.rel @p0 .LBB2_17-.Ltmp8, $4  }
0x2b5: {  	[tilespmem:s8+$0x40E] =	vst v11  }
0x2b6: {  	s31 =	sor.u32 $0x40E, s12;
	[tilespmem:s11+$0x40E] =	vst v63  }
0x2b7: {  	[tilespmem:s31+$0xD600] =	vst v14  }
0x2b8: {  	s28 =	sadd.s32 $0x10, s28;
	[tilespmem:s3+$0x40E] =	vst v10  }
0x2b9: {  	s0 =	smul.u32 $0xC800, s25  }
0x2ba: {  	s1 =	smin.u32 s25, $0x3FFC  }
0x2bb: {  	s24 =	sadd.s32 $0x1, s24;
	s1 =	smul.u32 $0xC8, s1;
	s0 =	sshrl.u32 s0, $0x3  }
0x2bc: {  	s3 =	simm.s32 $0xD600;
	p0 =	sne.s32 s24, $0x100;
	s0 =	sadd.s32 s6, s0  }
.Ltmp9:
0x2bd: {  	s31 =	sadd.s32 $0x258, s1;
	s0 =	sadd.s32 $0x1900, s0;
	(pc) =	sbr.rel @p0 .LBB2_12-.Ltmp9, $4  }
0x2be: {  	[hbm4b:s0+s5] =	stream.linear.scatter [tilespmem:s3], [sflag:$0x5], $0xC800, $0x38;
	[tilespmem:$0x19E00] =	vst v63  }
0x2bf: {  	s0 =	sshrl.u32 s31, $0x3  }
0x2c0: {  	s0 =	sadd.s32 s2, s0  }
0x2c1: {  	[tilespmem:s15], [sflag:$0x3] =	stream.linear.gather [hbm4b:s0+s5], $0xC8, $0x38;
	[tilespmem:$0x19E00] =	vst v63  }
0x2c2: {  	_ =	swait.ge [sflag:s21], $0xC800  }
0x2c3: {  	[sflag:s21] =	ssyncset.done $0x0  }
0x2c4: {  	[sflag:s21] =	ssyncadd.s32 $0xFFFF3800  }
0x2c5: {  	_ =	swait.ge [sflag:s22], $0xC800  }
0x2c6: {  	[sflag:s22] =	ssyncset.done $0x0  }
0x2c7: {  	[sflag:s22] =	ssyncadd.s32 $0xFFFF3800  }
0x2c8: {  	_ =	swait.ge [sflag:s17], $0xC8  }
0x2c9: {  	[sflag:s17] =	ssyncset.done $0x0  }
0x2ca: {  	[sflag:s17] =	ssyncadd.s32 $0xFFFFFF38  }
0x2cb: {  	_ =	swait.ge [sflag:s19], $0xC8  }
0x2cc: {  	s1 =	rddreg [dreg:$0xa]  }
0x2cd: {  	s0 =	rddreg [dreg:$0x9];
	s1 =	sadd.s32 $0x1, s1  }
0x2ce: {  	p0 =	sne.s32 s1, s0  }
.Ltmp10:
0x2cf: {  	_ = 	snop;
	(pc) =	sbr.rel @p0 .LBB2_1-.Ltmp10, $3  }
0x2d0: {  	_ =	sdelay $0x1  }
0x2d1: {  	[sflag:s19] =	ssyncset.done $0x0  }
0x2d2: {  	[sflag:s19] =	ssyncadd.s32 $0xFFFFFF38  }
0x2d3: {  	_ =	sfence.sel $0x180000  }
0x2d4: {  	[bflag:$0x0] =	sbarrier.arrive $0xFFFF  }
0x2d5: {  	_ =	strace $0x90000047  }
0x2d6: {  	s0 =	stileid.u32;
	[bflag:$0x2] =	sbarrier.arrive $0xFFFF  }
0x2d7: {  	p0 =	sne.s32 s0, $0x0;
	s0 =	rddreg [dreg:$0x2]  }
0x2d8: {  	s0 =	sadd.s32 @!p0 $0x100000, s0  }
0x2d9: {  	[sflag:s0] =	ssyncadd.tile.s32 @!p0 $0x1;
	_ =	shalt  }
.Lfunc_end2:
_tile_overlayer_lowered:
.L_overlay_start_2:
0x2da: {  	(tag) =	ssettag $0x2  }
0x2db: {  	s0 =	rddreg [dreg:$0x0];
	s2 =	stileid.u32  }
0x2dc: {  	s1 =	rddreg [dreg:$0x1];
	p0 =	sne.s32 s2, $0x0  }
0x2dd: {  	s3 =	rddreg [dreg:$0x2];
	[bflag:$0x3] =	sbarrier.arrive $0xFFFF;
	s2 =	simm.s32 @!p0 $0x1C06  }
0x2de: {  	[timem:s3], [sflag:s2] =	dma.local @!p0 [hbm:s0], s1  }
0x2df: {  	s0 =	simm.s32 @!p0 $0x6  }
0x2e0: {  	_ =	swait.ge @!p0 [sflag:s0], s1  }
0x2e1: {  	s1 =	ssub.s32 @!p0 $0x0, s1;
	[sflag:s0] =	ssyncset.done @!p0 $0x0  }
0x2e2: {  	[sflag:s0] =	ssyncadd.s32 @!p0 s1  }
0x2e3: {  	[bflag:$0x3] =	sbarrier.arrive $0xFFFF  }
0x2e4: {  	_ =	shalt  }

</sc_bundles>
